<compile_context>
chip_gen: v7x
topology: tpu7x:2x2x1
jax: 0.10.2.dev20260603
libtpu: 0.0.44.dev20260713+nightly
codegen_flags: <defaults>
</compile_context>

<pallas_src>
import functools

import jax
import jax.numpy as jnp
from jax import lax
from jax.experimental import pallas as pl
from jax.experimental.pallas import tpu as pltpu
from jax.experimental.pallas import tpu_sc as plsc

_NC = 2
_NS = 16
_NW = _NC * _NS
_CH = 32
_NBUF = 3


def kernel(x, embed_table):
    b, s, d = x.shape
    e = embed_table.shape[-1]
    rows = b * s
    rpw = rows // _NW
    n_ch = rpw // _CH
    xf = x.reshape(rows, d)

    scratch = (
        [pltpu.VMEM((_CH, d), jnp.float32) for _ in range(_NBUF)]
        + [pltpu.VMEM((_CH, e), jnp.float32) for _ in range(_NBUF)]
        + [pltpu.SemaphoreType.DMA for _ in range(2 * _NBUF)]
    )

    @functools.partial(
        pl.kernel,
        mesh=plsc.VectorSubcoreMesh(core_axis_name="c", subcore_axis_name="s"),
        out_type=jax.ShapeDtypeStruct((rows, d + e), x.dtype),
        scratch_types=scratch,
    )
    def sc_concat(x_hbm, t_hbm, out_hbm, *refs):
        xb = refs[0:_NBUF]
        eb = refs[_NBUF:2 * _NBUF]
        sin = refs[2 * _NBUF:2 * _NBUF + _NBUF]
        sout = refs[2 * _NBUF + _NBUF:]

        wid = lax.axis_index("s") * _NC + lax.axis_index("c")
        base = wid * rpw
        sbase = lax.rem(base, s)

        gathers = [None] * n_ch
        scatters = [None] * n_ch

        def start_gather(i):
            sl = i % _NBUF
            r = base + i * _CH
            sr = sbase + i * _CH
            gathers[i] = (
                pltpu.async_copy(x_hbm.at[pl.ds(r, _CH)], xb[sl], sin[sl]),
                pltpu.async_copy(t_hbm.at[pl.ds(sr, _CH)], eb[sl], sin[sl]),
            )

        def start_scatter(i):
            sl = i % _NBUF
            r = base + i * _CH
            scatters[i] = (
                pltpu.async_copy(
                    xb[sl], out_hbm.at[pl.ds(r, _CH), pl.ds(0, d)], sout[sl]
                ),
                pltpu.async_copy(
                    eb[sl], out_hbm.at[pl.ds(r, _CH), pl.ds(d, e)], sout[sl]
                ),
            )

        start_gather(0)
        if n_ch > 1:
            start_gather(1)
        for i in range(n_ch):
            for dsc in gathers[i]:
                dsc.wait()
            start_scatter(i)
            if i + 2 < n_ch:
                if i >= 1:
                    for dsc in scatters[i - 1]:
                        dsc.wait()
                start_gather(i + 2)
        for i in range(max(0, n_ch - _NBUF), n_ch):
            for dsc in scatters[i]:
                dsc.wait()

    out = sc_concat(xf, embed_table)
    return out.reshape(b, s, d + e)

# --- scband reference (transcript-rebuilt; emitter-appended) ---
"""Pipeline reference for scband-segment-positional-encoder-12249246728864 (READ-ONLY COPY).

The authoritative reference and input builder live on the scoring server;
editing this copy changes nothing except your own understanding.
"""

import jax, jax.numpy as jnp
import numpy as np

MAX_LEN = 8192
ENC_SEG = 128
B, S, D = 4, 4096, 1024

def setup_inputs(seed: int = 0) -> dict:
    key = jax.random.key(seed)
    k1, k2 = jax.random.split(key)
    x = jax.random.normal(k1, (B, S, D), dtype=jnp.float32)
    # nn.Embedding default init: N(0, 1)
    embed_table = jax.random.normal(k2, (MAX_LEN, ENC_SEG), dtype=jnp.float32)
    return {"x": x, "embed_table": embed_table}

def reference(x, embed_table):
    b, s = x.shape[0], x.shape[1]
    positions = jnp.broadcast_to(jnp.arange(s, dtype=jnp.int32), (b, s))
    pos_emb = jnp.take(embed_table, positions, axis=0)  # [B, S, ENC_SEG]
    out = jnp.concatenate([x, pos_emb], axis=-1)  # [B, S, D + ENC_SEG]
    # dropout p=0.0 -> identity
    return out

if __name__ == "__main__":
    import jax
    _d = setup_inputs()
    print(jax.jit(kernel)(*tuple(_d.values())))

</pallas_src>

<mosaic_0001>
#map = affine_map<(d0, d1) -> (0, 0)>
module attributes {stable_mosaic.version = 14 : i64} {
  func.func @sc_concat(%arg0: i32, %arg1: i32, %arg2: memref<16384x1024xf32, #tpu.memory_space<hbm>>, %arg3: memref<8192x128xf32, #tpu.memory_space<hbm>>, %arg4: memref<16384x1152xf32, #tpu.memory_space<hbm>>, %arg5: memref<32x1024xf32, #tpu.memory_space<vmem>>, %arg6: memref<32x1024xf32, #tpu.memory_space<vmem>>, %arg7: memref<32x1024xf32, #tpu.memory_space<vmem>>, %arg8: memref<32x128xf32, #tpu.memory_space<vmem>>, %arg9: memref<32x128xf32, #tpu.memory_space<vmem>>, %arg10: memref<32x128xf32, #tpu.memory_space<vmem>>, %arg11: memref<!tpu.dma_semaphore, #tpu.memory_space<semaphore_mem>>, %arg12: memref<!tpu.dma_semaphore, #tpu.memory_space<semaphore_mem>>, %arg13: memref<!tpu.dma_semaphore, #tpu.memory_space<semaphore_mem>>, %arg14: memref<!tpu.dma_semaphore, #tpu.memory_space<semaphore_mem>>, %arg15: memref<!tpu.dma_semaphore, #tpu.memory_space<semaphore_mem>>, %arg16: memref<!tpu.dma_semaphore, #tpu.memory_space<semaphore_mem>>) attributes {dimension_semantics = [#tpu.dimension_semantics<core_parallel>, #tpu.dimension_semantics<subcore_parallel>], iteration_bounds = array<i64: 2, 16>, scalar_prefetch = 0 : i64, scratch_operands = 12 : i64, tpu.core_type = #tpu.core_type<sc_vector_subcore>, window_params = [{transform_indices = #map}, {transform_indices = #map}, {transform_indices = #map}]} {
    %mul3A = arith.constant 2 : i32
    %mul3A_0 = arith.muli %arg1, %mul3A : i32
    %add3A = arith.addi %mul3A_0, %arg0 : i32
    %mul3A_1 = arith.constant 512 : i32
    %mul3A_2 = arith.muli %add3A, %mul3A_1 : i32
    %rem3A = arith.constant 4096 : i32
    %rem3A_3 = arith.remsi %mul3A_2, %rem3A : i32
    %add3A_4 = arith.constant 0 : i32
    %add3A_5 = arith.addi %mul3A_2, %add3A_4 : i32
    %add3A_6 = arith.constant 0 : i32
    %add3A_7 = arith.addi %rem3A_3, %add3A_6 : i32
    %dma_start3A = arith.constant 0 : i32
    %dma_start3A_8 = tpu.memref_slice %arg2[%add3A_5, %dma_start3A] : memref<16384x1024xf32, #tpu.memory_space<hbm>> -> memref<32x1024xf32, #tpu.memory_space<hbm>>
    %dma_start3A_9 = arith.constant 0 : i32
    %dma_start3A_10 = tpu.memref_slice %arg2[%add3A_5, %dma_start3A_9] : memref<16384x1024xf32, #tpu.memory_space<hbm>> -> memref<32x1024xf32, #tpu.memory_space<hbm>>
    tpu.enqueue_dma source(%dma_start3A_10 : memref<32x1024xf32, #tpu.memory_space<hbm>>) target(%arg5 : memref<32x1024xf32, #tpu.memory_space<vmem>>) target_semaphore(%arg11 : memref<!tpu.dma_semaphore, #tpu.memory_space<semaphore_mem>>)
    %dma_start3A_11 = arith.constant 0 : i32
    %dma_start3A_12 = tpu.memref_slice %arg3[%add3A_7, %dma_start3A_11] : memref<8192x128xf32, #tpu.memory_space<hbm>> -> memref<32x128xf32, #tpu.memory_space<hbm>>
    %dma_start3A_13 = arith.constant 0 : i32
    %dma_start3A_14 = tpu.memref_slice %arg3[%add3A_7, %dma_start3A_13] : memref<8192x128xf32, #tpu.memory_space<hbm>> -> memref<32x128xf32, #tpu.memory_space<hbm>>
    tpu.enqueue_dma source(%dma_start3A_14 : memref<32x128xf32, #tpu.memory_space<hbm>>) target(%arg8 : memref<32x128xf32, #tpu.memory_space<vmem>>) target_semaphore(%arg11 : memref<!tpu.dma_semaphore, #tpu.memory_space<semaphore_mem>>)
    %add3A_15 = arith.constant 32 : i32
    %add3A_16 = arith.addi %mul3A_2, %add3A_15 : i32
    %add3A_17 = arith.constant 32 : i32
    %add3A_18 = arith.addi %rem3A_3, %add3A_17 : i32
    %dma_start3A_19 = arith.constant 0 : i32
    %dma_start3A_20 = tpu.memref_slice %arg2[%add3A_16, %dma_start3A_19] : memref<16384x1024xf32, #tpu.memory_space<hbm>> -> memref<32x1024xf32, #tpu.memory_space<hbm>>
    %dma_start3A_21 = arith.constant 0 : i32
    %dma_start3A_22 = tpu.memref_slice %arg2[%add3A_16, %dma_start3A_21] : memref<16384x1024xf32, #tpu.memory_space<hbm>> -> memref<32x1024xf32, #tpu.memory_space<hbm>>
    tpu.enqueue_dma source(%dma_start3A_22 : memref<32x1024xf32, #tpu.memory_space<hbm>>) target(%arg6 : memref<32x1024xf32, #tpu.memory_space<vmem>>) target_semaphore(%arg12 : memref<!tpu.dma_semaphore, #tpu.memory_space<semaphore_mem>>)
    %dma_start3A_23 = arith.constant 0 : i32
    %dma_start3A_24 = tpu.memref_slice %arg3[%add3A_18, %dma_start3A_23] : memref<8192x128xf32, #tpu.memory_space<hbm>> -> memref<32x128xf32, #tpu.memory_space<hbm>>
    %dma_start3A_25 = arith.constant 0 : i32
    %dma_start3A_26 = tpu.memref_slice %arg3[%add3A_18, %dma_start3A_25] : memref<8192x128xf32, #tpu.memory_space<hbm>> -> memref<32x128xf32, #tpu.memory_space<hbm>>
    tpu.enqueue_dma source(%dma_start3A_26 : memref<32x128xf32, #tpu.memory_space<hbm>>) target(%arg9 : memref<32x128xf32, #tpu.memory_space<vmem>>) target_semaphore(%arg12 : memref<!tpu.dma_semaphore, #tpu.memory_space<semaphore_mem>>)
    %dma_wait3A = arith.constant 0 : i32
    %dma_wait3A_27 = tpu.memref_slice %arg2[%add3A_5, %dma_wait3A] : memref<16384x1024xf32, #tpu.memory_space<hbm>> -> memref<32x1024xf32, #tpu.memory_space<hbm>>
    %dma_wait3A_28 = arith.constant 0 : i32
    %dma_wait3A_29 = tpu.memref_slice %arg2[%add3A_5, %dma_wait3A_28] : memref<16384x1024xf32, #tpu.memory_space<hbm>> -> memref<32x1024xf32, #tpu.memory_space<hbm>>
    tpu.wait_dma2 semaphore(%arg11 : memref<!tpu.dma_semaphore, #tpu.memory_space<semaphore_mem>>) src(%dma_wait3A_29 : memref<32x1024xf32, #tpu.memory_space<hbm>>) dst(%arg5 : memref<32x1024xf32, #tpu.memory_space<vmem>>)
    %dma_wait3A_30 = arith.constant 0 : i32
    %dma_wait3A_31 = tpu.memref_slice %arg3[%add3A_7, %dma_wait3A_30] : memref<8192x128xf32, #tpu.memory_space<hbm>> -> memref<32x128xf32, #tpu.memory_space<hbm>>
    %dma_wait3A_32 = arith.constant 0 : i32
    %dma_wait3A_33 = tpu.memref_slice %arg3[%add3A_7, %dma_wait3A_32] : memref<8192x128xf32, #tpu.memory_space<hbm>> -> memref<32x128xf32, #tpu.memory_space<hbm>>
    tpu.wait_dma2 semaphore(%arg11 : memref<!tpu.dma_semaphore, #tpu.memory_space<semaphore_mem>>) src(%dma_wait3A_33 : memref<32x128xf32, #tpu.memory_space<hbm>>) dst(%arg8 : memref<32x128xf32, #tpu.memory_space<vmem>>)
    %add3A_34 = arith.constant 0 : i32
    %add3A_35 = arith.addi %mul3A_2, %add3A_34 : i32
    %dma_start3A_36 = arith.constant 0 : i32
    %dma_start3A_37 = tpu.memref_slice %arg4[%add3A_35, %dma_start3A_36] : memref<16384x1152xf32, #tpu.memory_space<hbm>> -> memref<32x1024xf32, #tpu.memory_space<hbm>>
    %dma_start3A_38 = arith.constant 0 : i32
    %dma_start3A_39 = tpu.memref_slice %arg4[%add3A_35, %dma_start3A_38] : memref<16384x1152xf32, #tpu.memory_space<hbm>> -> memref<32x1024xf32, #tpu.memory_space<hbm>>
    tpu.enqueue_dma source(%arg5 : memref<32x1024xf32, #tpu.memory_space<vmem>>) target(%dma_start3A_39 : memref<32x1024xf32, #tpu.memory_space<hbm>>) target_semaphore(%arg14 : memref<!tpu.dma_semaphore, #tpu.memory_space<semaphore_mem>>)
    %dma_start3A_40 = arith.constant 1024 : i32
    %dma_start3A_41 = tpu.memref_slice %arg4[%add3A_35, %dma_start3A_40] : memref<16384x1152xf32, #tpu.memory_space<hbm>> -> memref<32x128xf32, #tpu.memory_space<hbm>>
    %dma_start3A_42 = arith.constant 1024 : i32
    %dma_start3A_43 = tpu.memref_slice %arg4[%add3A_35, %dma_start3A_42] : memref<16384x1152xf32, #tpu.memory_space<hbm>> -> memref<32x128xf32, #tpu.memory_space<hbm>>
    tpu.enqueue_dma source(%arg8 : memref<32x128xf32, #tpu.memory_space<vmem>>) target(%dma_start3A_43 : memref<32x128xf32, #tpu.memory_space<hbm>>) target_semaphore(%arg14 : memref<!tpu.dma_semaphore, #tpu.memory_space<semaphore_mem>>)
    %add3A_44 = arith.constant 64 : i32
    %add3A_45 = arith.addi %mul3A_2, %add3A_44 : i32
    %add3A_46 = arith.constant 64 : i32
    %add3A_47 = arith.addi %rem3A_3, %add3A_46 : i32
    %dma_start3A_48 = arith.constant 0 : i32
    %dma_start3A_49 = tpu.memref_slice %arg2[%add3A_45, %dma_start3A_48] : memref<16384x1024xf32, #tpu.memory_space<hbm>> -> memref<32x1024xf32, #tpu.memory_space<hbm>>
    %dma_start3A_50 = arith.constant 0 : i32
    %dma_start3A_51 = tpu.memref_slice %arg2[%add3A_45, %dma_start3A_50] : memref<16384x1024xf32, #tpu.memory_space<hbm>> -> memref<32x1024xf32, #tpu.memory_space<hbm>>
    tpu.enqueue_dma source(%dma_start3A_51 : memref<32x1024xf32, #tpu.memory_space<hbm>>) target(%arg7 : memref<32x1024xf32, #tpu.memory_space<vmem>>) target_semaphore(%arg13 : memref<!tpu.dma_semaphore, #tpu.memory_space<semaphore_mem>>)
    %dma_start3A_52 = arith.constant 0 : i32
    %dma_start3A_53 = tpu.memref_slice %arg3[%add3A_47, %dma_start3A_52] : memref<8192x128xf32, #tpu.memory_space<hbm>> -> memref<32x128xf32, #tpu.memory_space<hbm>>
    %dma_start3A_54 = arith.constant 0 : i32
    %dma_start3A_55 = tpu.memref_slice %arg3[%add3A_47, %dma_start3A_54] : memref<8192x128xf32, #tpu.memory_space<hbm>> -> memref<32x128xf32, #tpu.memory_space<hbm>>
    tpu.enqueue_dma source(%dma_start3A_55 : memref<32x128xf32, #tpu.memory_space<hbm>>) target(%arg10 : memref<32x128xf32, #tpu.memory_space<vmem>>) target_semaphore(%arg13 : memref<!tpu.dma_semaphore, #tpu.memory_space<semaphore_mem>>)
    %dma_wait3A_56 = arith.constant 0 : i32
    %dma_wait3A_57 = tpu.memref_slice %arg2[%add3A_16, %dma_wait3A_56] : memref<16384x1024xf32, #tpu.memory_space<hbm>> -> memref<32x1024xf32, #tpu.memory_space<hbm>>
    %dma_wait3A_58 = arith.constant 0 : i32
    %dma_wait3A_59 = tpu.memref_slice %arg2[%add3A_16, %dma_wait3A_58] : memref<16384x1024xf32, #tpu.memory_space<hbm>> -> memref<32x1024xf32, #tpu.memory_space<hbm>>
    tpu.wait_dma2 semaphore(%arg12 : memref<!tpu.dma_semaphore, #tpu.memory_space<semaphore_mem>>) src(%dma_wait3A_59 : memref<32x1024xf32, #tpu.memory_space<hbm>>) dst(%arg6 : memref<32x1024xf32, #tpu.memory_space<vmem>>)
    %dma_wait3A_60 = arith.constant 0 : i32
    %dma_wait3A_61 = tpu.memref_slice %arg3[%add3A_18, %dma_wait3A_60] : memref<8192x128xf32, #tpu.memory_space<hbm>> -> memref<32x128xf32, #tpu.memory_space<hbm>>
    %dma_wait3A_62 = arith.constant 0 : i32
    %dma_wait3A_63 = tpu.memref_slice %arg3[%add3A_18, %dma_wait3A_62] : memref<8192x128xf32, #tpu.memory_space<hbm>> -> memref<32x128xf32, #tpu.memory_space<hbm>>
    tpu.wait_dma2 semaphore(%arg12 : memref<!tpu.dma_semaphore, #tpu.memory_space<semaphore_mem>>) src(%dma_wait3A_63 : memref<32x128xf32, #tpu.memory_space<hbm>>) dst(%arg9 : memref<32x128xf32, #tpu.memory_space<vmem>>)
    %add3A_64 = arith.constant 32 : i32
    %add3A_65 = arith.addi %mul3A_2, %add3A_64 : i32
    %dma_start3A_66 = arith.constant 0 : i32
    %dma_start3A_67 = tpu.memref_slice %arg4[%add3A_65, %dma_start3A_66] : memref<16384x1152xf32, #tpu.memory_space<hbm>> -> memref<32x1024xf32, #tpu.memory_space<hbm>>
    %dma_start3A_68 = arith.constant 0 : i32
    %dma_start3A_69 = tpu.memref_slice %arg4[%add3A_65, %dma_start3A_68] : memref<16384x1152xf32, #tpu.memory_space<hbm>> -> memref<32x1024xf32, #tpu.memory_space<hbm>>
    tpu.enqueue_dma source(%arg6 : memref<32x1024xf32, #tpu.memory_space<vmem>>) target(%dma_start3A_69 : memref<32x1024xf32, #tpu.memory_space<hbm>>) target_semaphore(%arg15 : memref<!tpu.dma_semaphore, #tpu.memory_space<semaphore_mem>>)
    %dma_start3A_70 = arith.constant 1024 : i32
    %dma_start3A_71 = tpu.memref_slice %arg4[%add3A_65, %dma_start3A_70] : memref<16384x1152xf32, #tpu.memory_space<hbm>> -> memref<32x128xf32, #tpu.memory_space<hbm>>
    %dma_start3A_72 = arith.constant 1024 : i32
    %dma_start3A_73 = tpu.memref_slice %arg4[%add3A_65, %dma_start3A_72] : memref<16384x1152xf32, #tpu.memory_space<hbm>> -> memref<32x128xf32, #tpu.memory_space<hbm>>
    tpu.enqueue_dma source(%arg9 : memref<32x128xf32, #tpu.memory_space<vmem>>) target(%dma_start3A_73 : memref<32x128xf32, #tpu.memory_space<hbm>>) target_semaphore(%arg15 : memref<!tpu.dma_semaphore, #tpu.memory_space<semaphore_mem>>)
    %dma_wait3A_74 = arith.constant 0 : i32
    %dma_wait3A_75 = tpu.memref_slice %arg4[%add3A_35, %dma_wait3A_74] : memref<16384x1152xf32, #tpu.memory_space<hbm>> -> memref<32x1024xf32, #tpu.memory_space<hbm>>
    %dma_wait3A_76 = arith.constant 0 : i32
    %dma_wait3A_77 = tpu.memref_slice %arg4[%add3A_35, %dma_wait3A_76] : memref<16384x1152xf32, #tpu.memory_space<hbm>> -> memref<32x1024xf32, #tpu.memory_space<hbm>>
    tpu.wait_dma2 semaphore(%arg14 : memref<!tpu.dma_semaphore, #tpu.memory_space<semaphore_mem>>) src(%arg5 : memref<32x1024xf32, #tpu.memory_space<vmem>>) dst(%dma_wait3A_77 : memref<32x1024xf32, #tpu.memory_space<hbm>>)
    %dma_wait3A_78 = arith.constant 1024 : i32
    %dma_wait3A_79 = tpu.memref_slice %arg4[%add3A_35, %dma_wait3A_78] : memref<16384x1152xf32, #tpu.memory_space<hbm>> -> memref<32x128xf32, #tpu.memory_space<hbm>>
    %dma_wait3A_80 = arith.constant 1024 : i32
    %dma_wait3A_81 = tpu.memref_slice %arg4[%add3A_35, %dma_wait3A_80] : memref<16384x1152xf32, #tpu.memory_space<hbm>> -> memref<32x128xf32, #tpu.memory_space<hbm>>
    tpu.wait_dma2 semaphore(%arg14 : memref<!tpu.dma_semaphore, #tpu.memory_space<semaphore_mem>>) src(%arg8 : memref<32x128xf32, #tpu.memory_space<vmem>>) dst(%dma_wait3A_81 : memref<32x128xf32, #tpu.memory_space<hbm>>)
    %add3A_82 = arith.constant 96 : i32
    %add3A_83 = arith.addi %mul3A_2, %add3A_82 : i32
    %add3A_84 = arith.constant 96 : i32
    %add3A_85 = arith.addi %rem3A_3, %add3A_84 : i32
    %dma_start3A_86 = arith.constant 0 : i32
    %dma_start3A_87 = tpu.memref_slice %arg2[%add3A_83, %dma_start3A_86] : memref<16384x1024xf32, #tpu.memory_space<hbm>> -> memref<32x1024xf32, #tpu.memory_space<hbm>>
    %dma_start3A_88 = arith.constant 0 : i32
    %dma_start3A_89 = tpu.memref_slice %arg2[%add3A_83, %dma_start3A_88] : memref<16384x1024xf32, #tpu.memory_space<hbm>> -> memref<32x1024xf32, #tpu.memory_space<hbm>>
    tpu.enqueue_dma source(%dma_start3A_89 : memref<32x1024xf32, #tpu.memory_space<hbm>>) target(%arg5 : memref<32x1024xf32, #tpu.memory_space<vmem>>) target_semaphore(%arg11 : memref<!tpu.dma_semaphore, #tpu.memory_space<semaphore_mem>>)
    %dma_start3A_90 = arith.constant 0 : i32
    %dma_start3A_91 = tpu.memref_slice %arg3[%add3A_85, %dma_start3A_90] : memref<8192x128xf32, #tpu.memory_space<hbm>> -> memref<32x128xf32, #tpu.memory_space<hbm>>
    %dma_start3A_92 = arith.constant 0 : i32
    %dma_start3A_93 = tpu.memref_slice %arg3[%add3A_85, %dma_start3A_92] : memref<8192x128xf32, #tpu.memory_space<hbm>> -> memref<32x128xf32, #tpu.memory_space<hbm>>
    tpu.enqueue_dma source(%dma_start3A_93 : memref<32x128xf32, #tpu.memory_space<hbm>>) target(%arg8 : memref<32x128xf32, #tpu.memory_space<vmem>>) target_semaphore(%arg11 : memref<!tpu.dma_semaphore, #tpu.memory_space<semaphore_mem>>)
    %dma_wait3A_94 = arith.constant 0 : i32
    %dma_wait3A_95 = tpu.memref_slice %arg2[%add3A_45, %dma_wait3A_94] : memref<16384x1024xf32, #tpu.memory_space<hbm>> -> memref<32x1024xf32, #tpu.memory_space<hbm>>
    %dma_wait3A_96 = arith.constant 0 : i32
    %dma_wait3A_97 = tpu.memref_slice %arg2[%add3A_45, %dma_wait3A_96] : memref<16384x1024xf32, #tpu.memory_space<hbm>> -> memref<32x1024xf32, #tpu.memory_space<hbm>>
    tpu.wait_dma2 semaphore(%arg13 : memref<!tpu.dma_semaphore, #tpu.memory_space<semaphore_mem>>) src(%dma_wait3A_97 : memref<32x1024xf32, #tpu.memory_space<hbm>>) dst(%arg7 : memref<32x1024xf32, #tpu.memory_space<vmem>>)
    %dma_wait3A_98 = arith.constant 0 : i32
    %dma_wait3A_99 = tpu.memref_slice %arg3[%add3A_47, %dma_wait3A_98] : memref<8192x128xf32, #tpu.memory_space<hbm>> -> memref<32x128xf32, #tpu.memory_space<hbm>>
    %dma_wait3A_100 = arith.constant 0 : i32
    %dma_wait3A_101 = tpu.memref_slice %arg3[%add3A_47, %dma_wait3A_100] : memref<8192x128xf32, #tpu.memory_space<hbm>> -> memref<32x128xf32, #tpu.memory_space<hbm>>
    tpu.wait_dma2 semaphore(%arg13 : memref<!tpu.dma_semaphore, #tpu.memory_space<semaphore_mem>>) src(%dma_wait3A_101 : memref<32x128xf32, #tpu.memory_space<hbm>>) dst(%arg10 : memref<32x128xf32, #tpu.memory_space<vmem>>)
    %add3A_102 = arith.constant 64 : i32
    %add3A_103 = arith.addi %mul3A_2, %add3A_102 : i32
    %dma_start3A_104 = arith.constant 0 : i32
    %dma_start3A_105 = tpu.memref_slice %arg4[%add3A_103, %dma_start3A_104] : memref<16384x1152xf32, #tpu.memory_space<hbm>> -> memref<32x1024xf32, #tpu.memory_space<hbm>>
    %dma_start3A_106 = arith.constant 0 : i32
    %dma_start3A_107 = tpu.memref_slice %arg4[%add3A_103, %dma_start3A_106] : memref<16384x1152xf32, #tpu.memory_space<hbm>> -> memref<32x1024xf32, #tpu.memory_space<hbm>>
    tpu.enqueue_dma source(%arg7 : memref<32x1024xf32, #tpu.memory_space<vmem>>) target(%dma_start3A_107 : memref<32x1024xf32, #tpu.memory_space<hbm>>) target_semaphore(%arg16 : memref<!tpu.dma_semaphore, #tpu.memory_space<semaphore_mem>>)
    %dma_start3A_108 = arith.constant 1024 : i32
    %dma_start3A_109 = tpu.memref_slice %arg4[%add3A_103, %dma_start3A_108] : memref<16384x1152xf32, #tpu.memory_space<hbm>> -> memref<32x128xf32, #tpu.memory_space<hbm>>
    %dma_start3A_110 = arith.constant 1024 : i32
    %dma_start3A_111 = tpu.memref_slice %arg4[%add3A_103, %dma_start3A_110] : memref<16384x1152xf32, #tpu.memory_space<hbm>> -> memref<32x128xf32, #tpu.memory_space<hbm>>
    tpu.enqueue_dma source(%arg10 : memref<32x128xf32, #tpu.memory_space<vmem>>) target(%dma_start3A_111 : memref<32x128xf32, #tpu.memory_space<hbm>>) target_semaphore(%arg16 : memref<!tpu.dma_semaphore, #tpu.memory_space<semaphore_mem>>)
    %dma_wait3A_112 = arith.constant 0 : i32
    %dma_wait3A_113 = tpu.memref_slice %arg4[%add3A_65, %dma_wait3A_112] : memref<16384x1152xf32, #tpu.memory_space<hbm>> -> memref<32x1024xf32, #tpu.memory_space<hbm>>
    %dma_wait3A_114 = arith.constant 0 : i32
    %dma_wait3A_115 = tpu.memref_slice %arg4[%add3A_65, %dma_wait3A_114] : memref<16384x1152xf32, #tpu.memory_space<hbm>> -> memref<32x1024xf32, #tpu.memory_space<hbm>>
    tpu.wait_dma2 semaphore(%arg15 : memref<!tpu.dma_semaphore, #tpu.memory_space<semaphore_mem>>) src(%arg6 : memref<32x1024xf32, #tpu.memory_space<vmem>>) dst(%dma_wait3A_115 : memref<32x1024xf32, #tpu.memory_space<hbm>>)
    %dma_wait3A_116 = arith.constant 1024 : i32
    %dma_wait3A_117 = tpu.memref_slice %arg4[%add3A_65, %dma_wait3A_116] : memref<16384x1152xf32, #tpu.memory_space<hbm>> -> memref<32x128xf32, #tpu.memory_space<hbm>>
    %dma_wait3A_118 = arith.constant 1024 : i32
    %dma_wait3A_119 = tpu.memref_slice %arg4[%add3A_65, %dma_wait3A_118] : memref<16384x1152xf32, #tpu.memory_space<hbm>> -> memref<32x128xf32, #tpu.memory_space<hbm>>
    tpu.wait_dma2 semaphore(%arg15 : memref<!tpu.dma_semaphore, #tpu.memory_space<semaphore_mem>>) src(%arg9 : memref<32x128xf32, #tpu.memory_space<vmem>>) dst(%dma_wait3A_119 : memref<32x128xf32, #tpu.memory_space<hbm>>)
    %add3A_120 = arith.constant 128 : i32
    %add3A_121 = arith.addi %mul3A_2, %add3A_120 : i32
    %add3A_122 = arith.constant 128 : i32
    %add3A_123 = arith.addi %rem3A_3, %add3A_122 : i32
    %dma_start3A_124 = arith.constant 0 : i32
    %dma_start3A_125 = tpu.memref_slice %arg2[%add3A_121, %dma_start3A_124] : memref<16384x1024xf32, #tpu.memory_space<hbm>> -> memref<32x1024xf32, #tpu.memory_space<hbm>>
    %dma_start3A_126 = arith.constant 0 : i32
    %dma_start3A_127 = tpu.memref_slice %arg2[%add3A_121, %dma_start3A_126] : memref<16384x1024xf32, #tpu.memory_space<hbm>> -> memref<32x1024xf32, #tpu.memory_space<hbm>>
    tpu.enqueue_dma source(%dma_start3A_127 : memref<32x1024xf32, #tpu.memory_space<hbm>>) target(%arg6 : memref<32x1024xf32, #tpu.memory_space<vmem>>) target_semaphore(%arg12 : memref<!tpu.dma_semaphore, #tpu.memory_space<semaphore_mem>>)
    %dma_start3A_128 = arith.constant 0 : i32
    %dma_start3A_129 = tpu.memref_slice %arg3[%add3A_123, %dma_start3A_128] : memref<8192x128xf32, #tpu.memory_space<hbm>> -> memref<32x128xf32, #tpu.memory_space<hbm>>
    %dma_start3A_130 = arith.constant 0 : i32
    %dma_start3A_131 = tpu.memref_slice %arg3[%add3A_123, %dma_start3A_130] : memref<8192x128xf32, #tpu.memory_space<hbm>> -> memref<32x128xf32, #tpu.memory_space<hbm>>
    tpu.enqueue_dma source(%dma_start3A_131 : memref<32x128xf32, #tpu.memory_space<hbm>>) target(%arg9 : memref<32x128xf32, #tpu.memory_space<vmem>>) target_semaphore(%arg12 : memref<!tpu.dma_semaphore, #tpu.memory_space<semaphore_mem>>)
    %dma_wait3A_132 = arith.constant 0 : i32
    %dma_wait3A_133 = tpu.memref_slice %arg2[%add3A_83, %dma_wait3A_132] : memref<16384x1024xf32, #tpu.memory_space<hbm>> -> memref<32x1024xf32, #tpu.memory_space<hbm>>
    %dma_wait3A_134 = arith.constant 0 : i32
    %dma_wait3A_135 = tpu.memref_slice %arg2[%add3A_83, %dma_wait3A_134] : memref<16384x1024xf32, #tpu.memory_space<hbm>> -> memref<32x1024xf32, #tpu.memory_space<hbm>>
    tpu.wait_dma2 semaphore(%arg11 : memref<!tpu.dma_semaphore, #tpu.memory_space<semaphore_mem>>) src(%dma_wait3A_135 : memref<32x1024xf32, #tpu.memory_space<hbm>>) dst(%arg5 : memref<32x1024xf32, #tpu.memory_space<vmem>>)
    %dma_wait3A_136 = arith.constant 0 : i32
    %dma_wait3A_137 = tpu.memref_slice %arg3[%add3A_85, %dma_wait3A_136] : memref<8192x128xf32, #tpu.memory_space<hbm>> -> memref<32x128xf32, #tpu.memory_space<hbm>>
    %dma_wait3A_138 = arith.constant 0 : i32
    %dma_wait3A_139 = tpu.memref_slice %arg3[%add3A_85, %dma_wait3A_138] : memref<8192x128xf32, #tpu.memory_space<hbm>> -> memref<32x128xf32, #tpu.memory_space<hbm>>
    tpu.wait_dma2 semaphore(%arg11 : memref<!tpu.dma_semaphore, #tpu.memory_space<semaphore_mem>>) src(%dma_wait3A_139 : memref<32x128xf32, #tpu.memory_space<hbm>>) dst(%arg8 : memref<32x128xf32, #tpu.memory_space<vmem>>)
    %add3A_140 = arith.constant 96 : i32
    %add3A_141 = arith.addi %mul3A_2, %add3A_140 : i32
    %dma_start3A_142 = arith.constant 0 : i32
    %dma_start3A_143 = tpu.memref_slice %arg4[%add3A_141, %dma_start3A_142] : memref<16384x1152xf32, #tpu.memory_space<hbm>> -> memref<32x1024xf32, #tpu.memory_space<hbm>>
    %dma_start3A_144 = arith.constant 0 : i32
    %dma_start3A_145 = tpu.memref_slice %arg4[%add3A_141, %dma_start3A_144] : memref<16384x1152xf32, #tpu.memory_space<hbm>> -> memref<32x1024xf32, #tpu.memory_space<hbm>>
    tpu.enqueue_dma source(%arg5 : memref<32x1024xf32, #tpu.memory_space<vmem>>) target(%dma_start3A_145 : memref<32x1024xf32, #tpu.memory_space<hbm>>) target_semaphore(%arg14 : memref<!tpu.dma_semaphore, #tpu.memory_space<semaphore_mem>>)
    %dma_start3A_146 = arith.constant 1024 : i32
    %dma_start3A_147 = tpu.memref_slice %arg4[%add3A_141, %dma_start3A_146] : memref<16384x1152xf32, #tpu.memory_space<hbm>> -> memref<32x128xf32, #tpu.memory_space<hbm>>
    %dma_start3A_148 = arith.constant 1024 : i32
    %dma_start3A_149 = tpu.memref_slice %arg4[%add3A_141, %dma_start3A_148] : memref<16384x1152xf32, #tpu.memory_space<hbm>> -> memref<32x128xf32, #tpu.memory_space<hbm>>
    tpu.enqueue_dma source(%arg8 : memref<32x128xf32, #tpu.memory_space<vmem>>) target(%dma_start3A_149 : memref<32x128xf32, #tpu.memory_space<hbm>>) target_semaphore(%arg14 : memref<!tpu.dma_semaphore, #tpu.memory_space<semaphore_mem>>)
    %dma_wait3A_150 = arith.constant 0 : i32
    %dma_wait3A_151 = tpu.memref_slice %arg4[%add3A_103, %dma_wait3A_150] : memref<16384x1152xf32, #tpu.memory_space<hbm>> -> memref<32x1024xf32, #tpu.memory_space<hbm>>
    %dma_wait3A_152 = arith.constant 0 : i32
    %dma_wait3A_153 = tpu.memref_slice %arg4[%add3A_103, %dma_wait3A_152] : memref<16384x1152xf32, #tpu.memory_space<hbm>> -> memref<32x1024xf32, #tpu.memory_space<hbm>>
    tpu.wait_dma2 semaphore(%arg16 : memref<!tpu.dma_semaphore, #tpu.memory_space<semaphore_mem>>) src(%arg7 : memref<32x1024xf32, #tpu.memory_space<vmem>>) dst(%dma_wait3A_153 : memref<32x1024xf32, #tpu.memory_space<hbm>>)
    %dma_wait3A_154 = arith.constant 1024 : i32
    %dma_wait3A_155 = tpu.memref_slice %arg4[%add3A_103, %dma_wait3A_154] : memref<16384x1152xf32, #tpu.memory_space<hbm>> -> memref<32x128xf32, #tpu.memory_space<hbm>>
    %dma_wait3A_156 = arith.constant 1024 : i32
    %dma_wait3A_157 = tpu.memref_slice %arg4[%add3A_103, %dma_wait3A_156] : memref<16384x1152xf32, #tpu.memory_space<hbm>> -> memref<32x128xf32, #tpu.memory_space<hbm>>
    tpu.wait_dma2 semaphore(%arg16 : memref<!tpu.dma_semaphore, #tpu.memory_space<semaphore_mem>>) src(%arg10 : memref<32x128xf32, #tpu.memory_space<vmem>>) dst(%dma_wait3A_157 : memref<32x128xf32, #tpu.memory_space<hbm>>)
    %add3A_158 = arith.constant 160 : i32
    %add3A_159 = arith.addi %mul3A_2, %add3A_158 : i32
    %add3A_160 = arith.constant 160 : i32
    %add3A_161 = arith.addi %rem3A_3, %add3A_160 : i32
    %dma_start3A_162 = arith.constant 0 : i32
    %dma_start3A_163 = tpu.memref_slice %arg2[%add3A_159, %dma_start3A_162] : memref<16384x1024xf32, #tpu.memory_space<hbm>> -> memref<32x1024xf32, #tpu.memory_space<hbm>>
    %dma_start3A_164 = arith.constant 0 : i32
    %dma_start3A_165 = tpu.memref_slice %arg2[%add3A_159, %dma_start3A_164] : memref<16384x1024xf32, #tpu.memory_space<hbm>> -> memref<32x1024xf32, #tpu.memory_space<hbm>>
    tpu.enqueue_dma source(%dma_start3A_165 : memref<32x1024xf32, #tpu.memory_space<hbm>>) target(%arg7 : memref<32x1024xf32, #tpu.memory_space<vmem>>) target_semaphore(%arg13 : memref<!tpu.dma_semaphore, #tpu.memory_space<semaphore_mem>>)
    %dma_start3A_166 = arith.constant 0 : i32
    %dma_start3A_167 = tpu.memref_slice %arg3[%add3A_161, %dma_start3A_166] : memref<8192x128xf32, #tpu.memory_space<hbm>> -> memref<32x128xf32, #tpu.memory_space<hbm>>
    %dma_start3A_168 = arith.constant 0 : i32
    %dma_start3A_169 = tpu.memref_slice %arg3[%add3A_161, %dma_start3A_168] : memref<8192x128xf32, #tpu.memory_space<hbm>> -> memref<32x128xf32, #tpu.memory_space<hbm>>
    tpu.enqueue_dma source(%dma_start3A_169 : memref<32x128xf32, #tpu.memory_space<hbm>>) target(%arg10 : memref<32x128xf32, #tpu.memory_space<vmem>>) target_semaphore(%arg13 : memref<!tpu.dma_semaphore, #tpu.memory_space<semaphore_mem>>)
    %dma_wait3A_170 = arith.constant 0 : i32
    %dma_wait3A_171 = tpu.memref_slice %arg2[%add3A_121, %dma_wait3A_170] : memref<16384x1024xf32, #tpu.memory_space<hbm>> -> memref<32x1024xf32, #tpu.memory_space<hbm>>
    %dma_wait3A_172 = arith.constant 0 : i32
    %dma_wait3A_173 = tpu.memref_slice %arg2[%add3A_121, %dma_wait3A_172] : memref<16384x1024xf32, #tpu.memory_space<hbm>> -> memref<32x1024xf32, #tpu.memory_space<hbm>>
    tpu.wait_dma2 semaphore(%arg12 : memref<!tpu.dma_semaphore, #tpu.memory_space<semaphore_mem>>) src(%dma_wait3A_173 : memref<32x1024xf32, #tpu.memory_space<hbm>>) dst(%arg6 : memref<32x1024xf32, #tpu.memory_space<vmem>>)
    %dma_wait3A_174 = arith.constant 0 : i32
    %dma_wait3A_175 = tpu.memref_slice %arg3[%add3A_123, %dma_wait3A_174] : memref<8192x128xf32, #tpu.memory_space<hbm>> -> memref<32x128xf32, #tpu.memory_space<hbm>>
    %dma_wait3A_176 = arith.constant 0 : i32
    %dma_wait3A_177 = tpu.memref_slice %arg3[%add3A_123, %dma_wait3A_176] : memref<8192x128xf32, #tpu.memory_space<hbm>> -> memref<32x128xf32, #tpu.memory_space<hbm>>
    tpu.wait_dma2 semaphore(%arg12 : memref<!tpu.dma_semaphore, #tpu.memory_space<semaphore_mem>>) src(%dma_wait3A_177 : memref<32x128xf32, #tpu.memory_space<hbm>>) dst(%arg9 : memref<32x128xf32, #tpu.memory_space<vmem>>)
    %add3A_178 = arith.constant 128 : i32
    %add3A_179 = arith.addi %mul3A_2, %add3A_178 : i32
    %dma_start3A_180 = arith.constant 0 : i32
    %dma_start3A_181 = tpu.memref_slice %arg4[%add3A_179, %dma_start3A_180] : memref<16384x1152xf32, #tpu.memory_space<hbm>> -> memref<32x1024xf32, #tpu.memory_space<hbm>>
    %dma_start3A_182 = arith.constant 0 : i32
    %dma_start3A_183 = tpu.memref_slice %arg4[%add3A_179, %dma_start3A_182] : memref<16384x1152xf32, #tpu.memory_space<hbm>> -> memref<32x1024xf32, #tpu.memory_space<hbm>>
    tpu.enqueue_dma source(%arg6 : memref<32x1024xf32, #tpu.memory_space<vmem>>) target(%dma_start3A_183 : memref<32x1024xf32, #tpu.memory_space<hbm>>) target_semaphore(%arg15 : memref<!tpu.dma_semaphore, #tpu.memory_space<semaphore_mem>>)
    %dma_start3A_184 = arith.constant 1024 : i32
    %dma_start3A_185 = tpu.memref_slice %arg4[%add3A_179, %dma_start3A_184] : memref<16384x1152xf32, #tpu.memory_space<hbm>> -> memref<32x128xf32, #tpu.memory_space<hbm>>
    %dma_start3A_186 = arith.constant 1024 : i32
    %dma_start3A_187 = tpu.memref_slice %arg4[%add3A_179, %dma_start3A_186] : memref<16384x1152xf32, #tpu.memory_space<hbm>> -> memref<32x128xf32, #tpu.memory_space<hbm>>
    tpu.enqueue_dma source(%arg9 : memref<32x128xf32, #tpu.memory_space<vmem>>) target(%dma_start3A_187 : memref<32x128xf32, #tpu.memory_space<hbm>>) target_semaphore(%arg15 : memref<!tpu.dma_semaphore, #tpu.memory_space<semaphore_mem>>)
    %dma_wait3A_188 = arith.constant 0 : i32
    %dma_wait3A_189 = tpu.memref_slice %arg4[%add3A_141, %dma_wait3A_188] : memref<16384x1152xf32, #tpu.memory_space<hbm>> -> memref<32x1024xf32, #tpu.memory_space<hbm>>
    %dma_wait3A_190 = arith.constant 0 : i32
    %dma_wait3A_191 = tpu.memref_slice %arg4[%add3A_141, %dma_wait3A_190] : memref<16384x1152xf32, #tpu.memory_space<hbm>> -> memref<32x1024xf32, #tpu.memory_space<hbm>>
    tpu.wait_dma2 semaphore(%arg14 : memref<!tpu.dma_semaphore, #tpu.memory_space<semaphore_mem>>) src(%arg5 : memref<32x1024xf32, #tpu.memory_space<vmem>>) dst(%dma_wait3A_191 : memref<32x1024xf32, #tpu.memory_space<hbm>>)
    %dma_wait3A_192 = arith.constant 1024 : i32
    %dma_wait3A_193 = tpu.memref_slice %arg4[%add3A_141, %dma_wait3A_192] : memref<16384x1152xf32, #tpu.memory_space<hbm>> -> memref<32x128xf32, #tpu.memory_space<hbm>>
    %dma_wait3A_194 = arith.constant 1024 : i32
    %dma_wait3A_195 = tpu.memref_slice %arg4[%add3A_141, %dma_wait3A_194] : memref<16384x1152xf32, #tpu.memory_space<hbm>> -> memref<32x128xf32, #tpu.memory_space<hbm>>
    tpu.wait_dma2 semaphore(%arg14 : memref<!tpu.dma_semaphore, #tpu.memory_space<semaphore_mem>>) src(%arg8 : memref<32x128xf32, #tpu.memory_space<vmem>>) dst(%dma_wait3A_195 : memref<32x128xf32, #tpu.memory_space<hbm>>)
    %add3A_196 = arith.constant 192 : i32
    %add3A_197 = arith.addi %mul3A_2, %add3A_196 : i32
    %add3A_198 = arith.constant 192 : i32
    %add3A_199 = arith.addi %rem3A_3, %add3A_198 : i32
    %dma_start3A_200 = arith.constant 0 : i32
    %dma_start3A_201 = tpu.memref_slice %arg2[%add3A_197, %dma_start3A_200] : memref<16384x1024xf32, #tpu.memory_space<hbm>> -> memref<32x1024xf32, #tpu.memory_space<hbm>>
    %dma_start3A_202 = arith.constant 0 : i32
    %dma_start3A_203 = tpu.memref_slice %arg2[%add3A_197, %dma_start3A_202] : memref<16384x1024xf32, #tpu.memory_space<hbm>> -> memref<32x1024xf32, #tpu.memory_space<hbm>>
    tpu.enqueue_dma source(%dma_start3A_203 : memref<32x1024xf32, #tpu.memory_space<hbm>>) target(%arg5 : memref<32x1024xf32, #tpu.memory_space<vmem>>) target_semaphore(%arg11 : memref<!tpu.dma_semaphore, #tpu.memory_space<semaphore_mem>>)
    %dma_start3A_204 = arith.constant 0 : i32
    %dma_start3A_205 = tpu.memref_slice %arg3[%add3A_199, %dma_start3A_204] : memref<8192x128xf32, #tpu.memory_space<hbm>> -> memref<32x128xf32, #tpu.memory_space<hbm>>
    %dma_start3A_206 = arith.constant 0 : i32
    %dma_start3A_207 = tpu.memref_slice %arg3[%add3A_199, %dma_start3A_206] : memref<8192x128xf32, #tpu.memory_space<hbm>> -> memref<32x128xf32, #tpu.memory_space<hbm>>
    tpu.enqueue_dma source(%dma_start3A_207 : memref<32x128xf32, #tpu.memory_space<hbm>>) target(%arg8 : memref<32x128xf32, #tpu.memory_space<vmem>>) target_semaphore(%arg11 : memref<!tpu.dma_semaphore, #tpu.memory_space<semaphore_mem>>)
    %dma_wait3A_208 = arith.constant 0 : i32
    %dma_wait3A_209 = tpu.memref_slice %arg2[%add3A_159, %dma_wait3A_208] : memref<16384x1024xf32, #tpu.memory_space<hbm>> -> memref<32x1024xf32, #tpu.memory_space<hbm>>
    %dma_wait3A_210 = arith.constant 0 : i32
    %dma_wait3A_211 = tpu.memref_slice %arg2[%add3A_159, %dma_wait3A_210] : memref<16384x1024xf32, #tpu.memory_space<hbm>> -> memref<32x1024xf32, #tpu.memory_space<hbm>>
    tpu.wait_dma2 semaphore(%arg13 : memref<!tpu.dma_semaphore, #tpu.memory_space<semaphore_mem>>) src(%dma_wait3A_211 : memref<32x1024xf32, #tpu.memory_space<hbm>>) dst(%arg7 : memref<32x1024xf32, #tpu.memory_space<vmem>>)
    %dma_wait3A_212 = arith.constant 0 : i32
    %dma_wait3A_213 = tpu.memref_slice %arg3[%add3A_161, %dma_wait3A_212] : memref<8192x128xf32, #tpu.memory_space<hbm>> -> memref<32x128xf32, #tpu.memory_space<hbm>>
    %dma_wait3A_214 = arith.constant 0 : i32
    %dma_wait3A_215 = tpu.memref_slice %arg3[%add3A_161, %dma_wait3A_214] : memref<8192x128xf32, #tpu.memory_space<hbm>> -> memref<32x128xf32, #tpu.memory_space<hbm>>
    tpu.wait_dma2 semaphore(%arg13 : memref<!tpu.dma_semaphore, #tpu.memory_space<semaphore_mem>>) src(%dma_wait3A_215 : memref<32x128xf32, #tpu.memory_space<hbm>>) dst(%arg10 : memref<32x128xf32, #tpu.memory_space<vmem>>)
    %add3A_216 = arith.constant 160 : i32
    %add3A_217 = arith.addi %mul3A_2, %add3A_216 : i32
    %dma_start3A_218 = arith.constant 0 : i32
    %dma_start3A_219 = tpu.memref_slice %arg4[%add3A_217, %dma_start3A_218] : memref<16384x1152xf32, #tpu.memory_space<hbm>> -> memref<32x1024xf32, #tpu.memory_space<hbm>>
    %dma_start3A_220 = arith.constant 0 : i32
    %dma_start3A_221 = tpu.memref_slice %arg4[%add3A_217, %dma_start3A_220] : memref<16384x1152xf32, #tpu.memory_space<hbm>> -> memref<32x1024xf32, #tpu.memory_space<hbm>>
    tpu.enqueue_dma source(%arg7 : memref<32x1024xf32, #tpu.memory_space<vmem>>) target(%dma_start3A_221 : memref<32x1024xf32, #tpu.memory_space<hbm>>) target_semaphore(%arg16 : memref<!tpu.dma_semaphore, #tpu.memory_space<semaphore_mem>>)
    %dma_start3A_222 = arith.constant 1024 : i32
    %dma_start3A_223 = tpu.memref_slice %arg4[%add3A_217, %dma_start3A_222] : memref<16384x1152xf32, #tpu.memory_space<hbm>> -> memref<32x128xf32, #tpu.memory_space<hbm>>
    %dma_start3A_224 = arith.constant 1024 : i32
    %dma_start3A_225 = tpu.memref_slice %arg4[%add3A_217, %dma_start3A_224] : memref<16384x1152xf32, #tpu.memory_space<hbm>> -> memref<32x128xf32, #tpu.memory_space<hbm>>
    tpu.enqueue_dma source(%arg10 : memref<32x128xf32, #tpu.memory_space<vmem>>) target(%dma_start3A_225 : memref<32x128xf32, #tpu.memory_space<hbm>>) target_semaphore(%arg16 : memref<!tpu.dma_semaphore, #tpu.memory_space<semaphore_mem>>)
    %dma_wait3A_226 = arith.constant 0 : i32
    %dma_wait3A_227 = tpu.memref_slice %arg4[%add3A_179, %dma_wait3A_226] : memref<16384x1152xf32, #tpu.memory_space<hbm>> -> memref<32x1024xf32, #tpu.memory_space<hbm>>
    %dma_wait3A_228 = arith.constant 0 : i32
    %dma_wait3A_229 = tpu.memref_slice %arg4[%add3A_179, %dma_wait3A_228] : memref<16384x1152xf32, #tpu.memory_space<hbm>> -> memref<32x1024xf32, #tpu.memory_space<hbm>>
    tpu.wait_dma2 semaphore(%arg15 : memref<!tpu.dma_semaphore, #tpu.memory_space<semaphore_mem>>) src(%arg6 : memref<32x1024xf32, #tpu.memory_space<vmem>>) dst(%dma_wait3A_229 : memref<32x1024xf32, #tpu.memory_space<hbm>>)
    %dma_wait3A_230 = arith.constant 1024 : i32
    %dma_wait3A_231 = tpu.memref_slice %arg4[%add3A_179, %dma_wait3A_230] : memref<16384x1152xf32, #tpu.memory_space<hbm>> -> memref<32x128xf32, #tpu.memory_space<hbm>>
    %dma_wait3A_232 = arith.constant 1024 : i32
    %dma_wait3A_233 = tpu.memref_slice %arg4[%add3A_179, %dma_wait3A_232] : memref<16384x1152xf32, #tpu.memory_space<hbm>> -> memref<32x128xf32, #tpu.memory_space<hbm>>
    tpu.wait_dma2 semaphore(%arg15 : memref<!tpu.dma_semaphore, #tpu.memory_space<semaphore_mem>>) src(%arg9 : memref<32x128xf32, #tpu.memory_space<vmem>>) dst(%dma_wait3A_233 : memref<32x128xf32, #tpu.memory_space<hbm>>)
    %add3A_234 = arith.constant 224 : i32
    %add3A_235 = arith.addi %mul3A_2, %add3A_234 : i32
    %add3A_236 = arith.constant 224 : i32
    %add3A_237 = arith.addi %rem3A_3, %add3A_236 : i32
    %dma_start3A_238 = arith.constant 0 : i32
    %dma_start3A_239 = tpu.memref_slice %arg2[%add3A_235, %dma_start3A_238] : memref<16384x1024xf32, #tpu.memory_space<hbm>> -> memref<32x1024xf32, #tpu.memory_space<hbm>>
    %dma_start3A_240 = arith.constant 0 : i32
    %dma_start3A_241 = tpu.memref_slice %arg2[%add3A_235, %dma_start3A_240] : memref<16384x1024xf32, #tpu.memory_space<hbm>> -> memref<32x1024xf32, #tpu.memory_space<hbm>>
    tpu.enqueue_dma source(%dma_start3A_241 : memref<32x1024xf32, #tpu.memory_space<hbm>>) target(%arg6 : memref<32x1024xf32, #tpu.memory_space<vmem>>) target_semaphore(%arg12 : memref<!tpu.dma_semaphore, #tpu.memory_space<semaphore_mem>>)
    %dma_start3A_242 = arith.constant 0 : i32
    %dma_start3A_243 = tpu.memref_slice %arg3[%add3A_237, %dma_start3A_242] : memref<8192x128xf32, #tpu.memory_space<hbm>> -> memref<32x128xf32, #tpu.memory_space<hbm>>
    %dma_start3A_244 = arith.constant 0 : i32
    %dma_start3A_245 = tpu.memref_slice %arg3[%add3A_237, %dma_start3A_244] : memref<8192x128xf32, #tpu.memory_space<hbm>> -> memref<32x128xf32, #tpu.memory_space<hbm>>
    tpu.enqueue_dma source(%dma_start3A_245 : memref<32x128xf32, #tpu.memory_space<hbm>>) target(%arg9 : memref<32x128xf32, #tpu.memory_space<vmem>>) target_semaphore(%arg12 : memref<!tpu.dma_semaphore, #tpu.memory_space<semaphore_mem>>)
    %dma_wait3A_246 = arith.constant 0 : i32
    %dma_wait3A_247 = tpu.memref_slice %arg2[%add3A_197, %dma_wait3A_246] : memref<16384x1024xf32, #tpu.memory_space<hbm>> -> memref<32x1024xf32, #tpu.memory_space<hbm>>
    %dma_wait3A_248 = arith.constant 0 : i32
    %dma_wait3A_249 = tpu.memref_slice %arg2[%add3A_197, %dma_wait3A_248] : memref<16384x1024xf32, #tpu.memory_space<hbm>> -> memref<32x1024xf32, #tpu.memory_space<hbm>>
    tpu.wait_dma2 semaphore(%arg11 : memref<!tpu.dma_semaphore, #tpu.memory_space<semaphore_mem>>) src(%dma_wait3A_249 : memref<32x1024xf32, #tpu.memory_space<hbm>>) dst(%arg5 : memref<32x1024xf32, #tpu.memory_space<vmem>>)
    %dma_wait3A_250 = arith.constant 0 : i32
    %dma_wait3A_251 = tpu.memref_slice %arg3[%add3A_199, %dma_wait3A_250] : memref<8192x128xf32, #tpu.memory_space<hbm>> -> memref<32x128xf32, #tpu.memory_space<hbm>>
    %dma_wait3A_252 = arith.constant 0 : i32
    %dma_wait3A_253 = tpu.memref_slice %arg3[%add3A_199, %dma_wait3A_252] : memref<8192x128xf32, #tpu.memory_space<hbm>> -> memref<32x128xf32, #tpu.memory_space<hbm>>
    tpu.wait_dma2 semaphore(%arg11 : memref<!tpu.dma_semaphore, #tpu.memory_space<semaphore_mem>>) src(%dma_wait3A_253 : memref<32x128xf32, #tpu.memory_space<hbm>>) dst(%arg8 : memref<32x128xf32, #tpu.memory_space<vmem>>)
    %add3A_254 = arith.constant 192 : i32
    %add3A_255 = arith.addi %mul3A_2, %add3A_254 : i32
    %dma_start3A_256 = arith.constant 0 : i32
    %dma_start3A_257 = tpu.memref_slice %arg4[%add3A_255, %dma_start3A_256] : memref<16384x1152xf32, #tpu.memory_space<hbm>> -> memref<32x1024xf32, #tpu.memory_space<hbm>>
    %dma_start3A_258 = arith.constant 0 : i32
    %dma_start3A_259 = tpu.memref_slice %arg4[%add3A_255, %dma_start3A_258] : memref<16384x1152xf32, #tpu.memory_space<hbm>> -> memref<32x1024xf32, #tpu.memory_space<hbm>>
    tpu.enqueue_dma source(%arg5 : memref<32x1024xf32, #tpu.memory_space<vmem>>) target(%dma_start3A_259 : memref<32x1024xf32, #tpu.memory_space<hbm>>) target_semaphore(%arg14 : memref<!tpu.dma_semaphore, #tpu.memory_space<semaphore_mem>>)
    %dma_start3A_260 = arith.constant 1024 : i32
    %dma_start3A_261 = tpu.memref_slice %arg4[%add3A_255, %dma_start3A_260] : memref<16384x1152xf32, #tpu.memory_space<hbm>> -> memref<32x128xf32, #tpu.memory_space<hbm>>
    %dma_start3A_262 = arith.constant 1024 : i32
    %dma_start3A_263 = tpu.memref_slice %arg4[%add3A_255, %dma_start3A_262] : memref<16384x1152xf32, #tpu.memory_space<hbm>> -> memref<32x128xf32, #tpu.memory_space<hbm>>
    tpu.enqueue_dma source(%arg8 : memref<32x128xf32, #tpu.memory_space<vmem>>) target(%dma_start3A_263 : memref<32x128xf32, #tpu.memory_space<hbm>>) target_semaphore(%arg14 : memref<!tpu.dma_semaphore, #tpu.memory_space<semaphore_mem>>)
    %dma_wait3A_264 = arith.constant 0 : i32
    %dma_wait3A_265 = tpu.memref_slice %arg4[%add3A_217, %dma_wait3A_264] : memref<16384x1152xf32, #tpu.memory_space<hbm>> -> memref<32x1024xf32, #tpu.memory_space<hbm>>
    %dma_wait3A_266 = arith.constant 0 : i32
    %dma_wait3A_267 = tpu.memref_slice %arg4[%add3A_217, %dma_wait3A_266] : memref<16384x1152xf32, #tpu.memory_space<hbm>> -> memref<32x1024xf32, #tpu.memory_space<hbm>>
    tpu.wait_dma2 semaphore(%arg16 : memref<!tpu.dma_semaphore, #tpu.memory_space<semaphore_mem>>) src(%arg7 : memref<32x1024xf32, #tpu.memory_space<vmem>>) dst(%dma_wait3A_267 : memref<32x1024xf32, #tpu.memory_space<hbm>>)
    %dma_wait3A_268 = arith.constant 1024 : i32
    %dma_wait3A_269 = tpu.memref_slice %arg4[%add3A_217, %dma_wait3A_268] : memref<16384x1152xf32, #tpu.memory_space<hbm>> -> memref<32x128xf32, #tpu.memory_space<hbm>>
    %dma_wait3A_270 = arith.constant 1024 : i32
    %dma_wait3A_271 = tpu.memref_slice %arg4[%add3A_217, %dma_wait3A_270] : memref<16384x1152xf32, #tpu.memory_space<hbm>> -> memref<32x128xf32, #tpu.memory_space<hbm>>
    tpu.wait_dma2 semaphore(%arg16 : memref<!tpu.dma_semaphore, #tpu.memory_space<semaphore_mem>>) src(%arg10 : memref<32x128xf32, #tpu.memory_space<vmem>>) dst(%dma_wait3A_271 : memref<32x128xf32, #tpu.memory_space<hbm>>)
    %add3A_272 = arith.constant 256 : i32
    %add3A_273 = arith.addi %mul3A_2, %add3A_272 : i32
    %add3A_274 = arith.constant 256 : i32
    %add3A_275 = arith.addi %rem3A_3, %add3A_274 : i32
    %dma_start3A_276 = arith.constant 0 : i32
    %dma_start3A_277 = tpu.memref_slice %arg2[%add3A_273, %dma_start3A_276] : memref<16384x1024xf32, #tpu.memory_space<hbm>> -> memref<32x1024xf32, #tpu.memory_space<hbm>>
    %dma_start3A_278 = arith.constant 0 : i32
    %dma_start3A_279 = tpu.memref_slice %arg2[%add3A_273, %dma_start3A_278] : memref<16384x1024xf32, #tpu.memory_space<hbm>> -> memref<32x1024xf32, #tpu.memory_space<hbm>>
    tpu.enqueue_dma source(%dma_start3A_279 : memref<32x1024xf32, #tpu.memory_space<hbm>>) target(%arg7 : memref<32x1024xf32, #tpu.memory_space<vmem>>) target_semaphore(%arg13 : memref<!tpu.dma_semaphore, #tpu.memory_space<semaphore_mem>>)
    %dma_start3A_280 = arith.constant 0 : i32
    %dma_start3A_281 = tpu.memref_slice %arg3[%add3A_275, %dma_start3A_280] : memref<8192x128xf32, #tpu.memory_space<hbm>> -> memref<32x128xf32, #tpu.memory_space<hbm>>
    %dma_start3A_282 = arith.constant 0 : i32
    %dma_start3A_283 = tpu.memref_slice %arg3[%add3A_275, %dma_start3A_282] : memref<8192x128xf32, #tpu.memory_space<hbm>> -> memref<32x128xf32, #tpu.memory_space<hbm>>
    tpu.enqueue_dma source(%dma_start3A_283 : memref<32x128xf32, #tpu.memory_space<hbm>>) target(%arg10 : memref<32x128xf32, #tpu.memory_space<vmem>>) target_semaphore(%arg13 : memref<!tpu.dma_semaphore, #tpu.memory_space<semaphore_mem>>)
    %dma_wait3A_284 = arith.constant 0 : i32
    %dma_wait3A_285 = tpu.memref_slice %arg2[%add3A_235, %dma_wait3A_284] : memref<16384x1024xf32, #tpu.memory_space<hbm>> -> memref<32x1024xf32, #tpu.memory_space<hbm>>
    %dma_wait3A_286 = arith.constant 0 : i32
    %dma_wait3A_287 = tpu.memref_slice %arg2[%add3A_235, %dma_wait3A_286] : memref<16384x1024xf32, #tpu.memory_space<hbm>> -> memref<32x1024xf32, #tpu.memory_space<hbm>>
    tpu.wait_dma2 semaphore(%arg12 : memref<!tpu.dma_semaphore, #tpu.memory_space<semaphore_mem>>) src(%dma_wait3A_287 : memref<32x1024xf32, #tpu.memory_space<hbm>>) dst(%arg6 : memref<32x1024xf32, #tpu.memory_space<vmem>>)
    %dma_wait3A_288 = arith.constant 0 : i32
    %dma_wait3A_289 = tpu.memref_slice %arg3[%add3A_237, %dma_wait3A_288] : memref<8192x128xf32, #tpu.memory_space<hbm>> -> memref<32x128xf32, #tpu.memory_space<hbm>>
    %dma_wait3A_290 = arith.constant 0 : i32
    %dma_wait3A_291 = tpu.memref_slice %arg3[%add3A_237, %dma_wait3A_290] : memref<8192x128xf32, #tpu.memory_space<hbm>> -> memref<32x128xf32, #tpu.memory_space<hbm>>
    tpu.wait_dma2 semaphore(%arg12 : memref<!tpu.dma_semaphore, #tpu.memory_space<semaphore_mem>>) src(%dma_wait3A_291 : memref<32x128xf32, #tpu.memory_space<hbm>>) dst(%arg9 : memref<32x128xf32, #tpu.memory_space<vmem>>)
    %add3A_292 = arith.constant 224 : i32
    %add3A_293 = arith.addi %mul3A_2, %add3A_292 : i32
    %dma_start3A_294 = arith.constant 0 : i32
    %dma_start3A_295 = tpu.memref_slice %arg4[%add3A_293, %dma_start3A_294] : memref<16384x1152xf32, #tpu.memory_space<hbm>> -> memref<32x1024xf32, #tpu.memory_space<hbm>>
    %dma_start3A_296 = arith.constant 0 : i32
    %dma_start3A_297 = tpu.memref_slice %arg4[%add3A_293, %dma_start3A_296] : memref<16384x1152xf32, #tpu.memory_space<hbm>> -> memref<32x1024xf32, #tpu.memory_space<hbm>>
    tpu.enqueue_dma source(%arg6 : memref<32x1024xf32, #tpu.memory_space<vmem>>) target(%dma_start3A_297 : memref<32x1024xf32, #tpu.memory_space<hbm>>) target_semaphore(%arg15 : memref<!tpu.dma_semaphore, #tpu.memory_space<semaphore_mem>>)
    %dma_start3A_298 = arith.constant 1024 : i32
    %dma_start3A_299 = tpu.memref_slice %arg4[%add3A_293, %dma_start3A_298] : memref<16384x1152xf32, #tpu.memory_space<hbm>> -> memref<32x128xf32, #tpu.memory_space<hbm>>
    %dma_start3A_300 = arith.constant 1024 : i32
    %dma_start3A_301 = tpu.memref_slice %arg4[%add3A_293, %dma_start3A_300] : memref<16384x1152xf32, #tpu.memory_space<hbm>> -> memref<32x128xf32, #tpu.memory_space<hbm>>
    tpu.enqueue_dma source(%arg9 : memref<32x128xf32, #tpu.memory_space<vmem>>) target(%dma_start3A_301 : memref<32x128xf32, #tpu.memory_space<hbm>>) target_semaphore(%arg15 : memref<!tpu.dma_semaphore, #tpu.memory_space<semaphore_mem>>)
    %dma_wait3A_302 = arith.constant 0 : i32
    %dma_wait3A_303 = tpu.memref_slice %arg4[%add3A_255, %dma_wait3A_302] : memref<16384x1152xf32, #tpu.memory_space<hbm>> -> memref<32x1024xf32, #tpu.memory_space<hbm>>
    %dma_wait3A_304 = arith.constant 0 : i32
    %dma_wait3A_305 = tpu.memref_slice %arg4[%add3A_255, %dma_wait3A_304] : memref<16384x1152xf32, #tpu.memory_space<hbm>> -> memref<32x1024xf32, #tpu.memory_space<hbm>>
    tpu.wait_dma2 semaphore(%arg14 : memref<!tpu.dma_semaphore, #tpu.memory_space<semaphore_mem>>) src(%arg5 : memref<32x1024xf32, #tpu.memory_space<vmem>>) dst(%dma_wait3A_305 : memref<32x1024xf32, #tpu.memory_space<hbm>>)
    %dma_wait3A_306 = arith.constant 1024 : i32
    %dma_wait3A_307 = tpu.memref_slice %arg4[%add3A_255, %dma_wait3A_306] : memref<16384x1152xf32, #tpu.memory_space<hbm>> -> memref<32x128xf32, #tpu.memory_space<hbm>>
    %dma_wait3A_308 = arith.constant 1024 : i32
    %dma_wait3A_309 = tpu.memref_slice %arg4[%add3A_255, %dma_wait3A_308] : memref<16384x1152xf32, #tpu.memory_space<hbm>> -> memref<32x128xf32, #tpu.memory_space<hbm>>
    tpu.wait_dma2 semaphore(%arg14 : memref<!tpu.dma_semaphore, #tpu.memory_space<semaphore_mem>>) src(%arg8 : memref<32x128xf32, #tpu.memory_space<vmem>>) dst(%dma_wait3A_309 : memref<32x128xf32, #tpu.memory_space<hbm>>)
    %add3A_310 = arith.constant 288 : i32
    %add3A_311 = arith.addi %mul3A_2, %add3A_310 : i32
    %add3A_312 = arith.constant 288 : i32
    %add3A_313 = arith.addi %rem3A_3, %add3A_312 : i32
    %dma_start3A_314 = arith.constant 0 : i32
    %dma_start3A_315 = tpu.memref_slice %arg2[%add3A_311, %dma_start3A_314] : memref<16384x1024xf32, #tpu.memory_space<hbm>> -> memref<32x1024xf32, #tpu.memory_space<hbm>>
    %dma_start3A_316 = arith.constant 0 : i32
    %dma_start3A_317 = tpu.memref_slice %arg2[%add3A_311, %dma_start3A_316] : memref<16384x1024xf32, #tpu.memory_space<hbm>> -> memref<32x1024xf32, #tpu.memory_space<hbm>>
    tpu.enqueue_dma source(%dma_start3A_317 : memref<32x1024xf32, #tpu.memory_space<hbm>>) target(%arg5 : memref<32x1024xf32, #tpu.memory_space<vmem>>) target_semaphore(%arg11 : memref<!tpu.dma_semaphore, #tpu.memory_space<semaphore_mem>>)
    %dma_start3A_318 = arith.constant 0 : i32
    %dma_start3A_319 = tpu.memref_slice %arg3[%add3A_313, %dma_start3A_318] : memref<8192x128xf32, #tpu.memory_space<hbm>> -> memref<32x128xf32, #tpu.memory_space<hbm>>
    %dma_start3A_320 = arith.constant 0 : i32
    %dma_start3A_321 = tpu.memref_slice %arg3[%add3A_313, %dma_start3A_320] : memref<8192x128xf32, #tpu.memory_space<hbm>> -> memref<32x128xf32, #tpu.memory_space<hbm>>
    tpu.enqueue_dma source(%dma_start3A_321 : memref<32x128xf32, #tpu.memory_space<hbm>>) target(%arg8 : memref<32x128xf32, #tpu.memory_space<vmem>>) target_semaphore(%arg11 : memref<!tpu.dma_semaphore, #tpu.memory_space<semaphore_mem>>)
    %dma_wait3A_322 = arith.constant 0 : i32
    %dma_wait3A_323 = tpu.memref_slice %arg2[%add3A_273, %dma_wait3A_322] : memref<16384x1024xf32, #tpu.memory_space<hbm>> -> memref<32x1024xf32, #tpu.memory_space<hbm>>
    %dma_wait3A_324 = arith.constant 0 : i32
    %dma_wait3A_325 = tpu.memref_slice %arg2[%add3A_273, %dma_wait3A_324] : memref<16384x1024xf32, #tpu.memory_space<hbm>> -> memref<32x1024xf32, #tpu.memory_space<hbm>>
    tpu.wait_dma2 semaphore(%arg13 : memref<!tpu.dma_semaphore, #tpu.memory_space<semaphore_mem>>) src(%dma_wait3A_325 : memref<32x1024xf32, #tpu.memory_space<hbm>>) dst(%arg7 : memref<32x1024xf32, #tpu.memory_space<vmem>>)
    %dma_wait3A_326 = arith.constant 0 : i32
    %dma_wait3A_327 = tpu.memref_slice %arg3[%add3A_275, %dma_wait3A_326] : memref<8192x128xf32, #tpu.memory_space<hbm>> -> memref<32x128xf32, #tpu.memory_space<hbm>>
    %dma_wait3A_328 = arith.constant 0 : i32
    %dma_wait3A_329 = tpu.memref_slice %arg3[%add3A_275, %dma_wait3A_328] : memref<8192x128xf32, #tpu.memory_space<hbm>> -> memref<32x128xf32, #tpu.memory_space<hbm>>
    tpu.wait_dma2 semaphore(%arg13 : memref<!tpu.dma_semaphore, #tpu.memory_space<semaphore_mem>>) src(%dma_wait3A_329 : memref<32x128xf32, #tpu.memory_space<hbm>>) dst(%arg10 : memref<32x128xf32, #tpu.memory_space<vmem>>)
    %add3A_330 = arith.constant 256 : i32
    %add3A_331 = arith.addi %mul3A_2, %add3A_330 : i32
    %dma_start3A_332 = arith.constant 0 : i32
    %dma_start3A_333 = tpu.memref_slice %arg4[%add3A_331, %dma_start3A_332] : memref<16384x1152xf32, #tpu.memory_space<hbm>> -> memref<32x1024xf32, #tpu.memory_space<hbm>>
    %dma_start3A_334 = arith.constant 0 : i32
    %dma_start3A_335 = tpu.memref_slice %arg4[%add3A_331, %dma_start3A_334] : memref<16384x1152xf32, #tpu.memory_space<hbm>> -> memref<32x1024xf32, #tpu.memory_space<hbm>>
    tpu.enqueue_dma source(%arg7 : memref<32x1024xf32, #tpu.memory_space<vmem>>) target(%dma_start3A_335 : memref<32x1024xf32, #tpu.memory_space<hbm>>) target_semaphore(%arg16 : memref<!tpu.dma_semaphore, #tpu.memory_space<semaphore_mem>>)
    %dma_start3A_336 = arith.constant 1024 : i32
    %dma_start3A_337 = tpu.memref_slice %arg4[%add3A_331, %dma_start3A_336] : memref<16384x1152xf32, #tpu.memory_space<hbm>> -> memref<32x128xf32, #tpu.memory_space<hbm>>
    %dma_start3A_338 = arith.constant 1024 : i32
    %dma_start3A_339 = tpu.memref_slice %arg4[%add3A_331, %dma_start3A_338] : memref<16384x1152xf32, #tpu.memory_space<hbm>> -> memref<32x128xf32, #tpu.memory_space<hbm>>
    tpu.enqueue_dma source(%arg10 : memref<32x128xf32, #tpu.memory_space<vmem>>) target(%dma_start3A_339 : memref<32x128xf32, #tpu.memory_space<hbm>>) target_semaphore(%arg16 : memref<!tpu.dma_semaphore, #tpu.memory_space<semaphore_mem>>)
    %dma_wait3A_340 = arith.constant 0 : i32
    %dma_wait3A_341 = tpu.memref_slice %arg4[%add3A_293, %dma_wait3A_340] : memref<16384x1152xf32, #tpu.memory_space<hbm>> -> memref<32x1024xf32, #tpu.memory_space<hbm>>
    %dma_wait3A_342 = arith.constant 0 : i32
    %dma_wait3A_343 = tpu.memref_slice %arg4[%add3A_293, %dma_wait3A_342] : memref<16384x1152xf32, #tpu.memory_space<hbm>> -> memref<32x1024xf32, #tpu.memory_space<hbm>>
    tpu.wait_dma2 semaphore(%arg15 : memref<!tpu.dma_semaphore, #tpu.memory_space<semaphore_mem>>) src(%arg6 : memref<32x1024xf32, #tpu.memory_space<vmem>>) dst(%dma_wait3A_343 : memref<32x1024xf32, #tpu.memory_space<hbm>>)
    %dma_wait3A_344 = arith.constant 1024 : i32
    %dma_wait3A_345 = tpu.memref_slice %arg4[%add3A_293, %dma_wait3A_344] : memref<16384x1152xf32, #tpu.memory_space<hbm>> -> memref<32x128xf32, #tpu.memory_space<hbm>>
    %dma_wait3A_346 = arith.constant 1024 : i32
    %dma_wait3A_347 = tpu.memref_slice %arg4[%add3A_293, %dma_wait3A_346] : memref<16384x1152xf32, #tpu.memory_space<hbm>> -> memref<32x128xf32, #tpu.memory_space<hbm>>
    tpu.wait_dma2 semaphore(%arg15 : memref<!tpu.dma_semaphore, #tpu.memory_space<semaphore_mem>>) src(%arg9 : memref<32x128xf32, #tpu.memory_space<vmem>>) dst(%dma_wait3A_347 : memref<32x128xf32, #tpu.memory_space<hbm>>)
    %add3A_348 = arith.constant 320 : i32
    %add3A_349 = arith.addi %mul3A_2, %add3A_348 : i32
    %add3A_350 = arith.constant 320 : i32
    %add3A_351 = arith.addi %rem3A_3, %add3A_350 : i32
    %dma_start3A_352 = arith.constant 0 : i32
    %dma_start3A_353 = tpu.memref_slice %arg2[%add3A_349, %dma_start3A_352] : memref<16384x1024xf32, #tpu.memory_space<hbm>> -> memref<32x1024xf32, #tpu.memory_space<hbm>>
    %dma_start3A_354 = arith.constant 0 : i32
    %dma_start3A_355 = tpu.memref_slice %arg2[%add3A_349, %dma_start3A_354] : memref<16384x1024xf32, #tpu.memory_space<hbm>> -> memref<32x1024xf32, #tpu.memory_space<hbm>>
    tpu.enqueue_dma source(%dma_start3A_355 : memref<32x1024xf32, #tpu.memory_space<hbm>>) target(%arg6 : memref<32x1024xf32, #tpu.memory_space<vmem>>) target_semaphore(%arg12 : memref<!tpu.dma_semaphore, #tpu.memory_space<semaphore_mem>>)
    %dma_start3A_356 = arith.constant 0 : i32
    %dma_start3A_357 = tpu.memref_slice %arg3[%add3A_351, %dma_start3A_356] : memref<8192x128xf32, #tpu.memory_space<hbm>> -> memref<32x128xf32, #tpu.memory_space<hbm>>
    %dma_start3A_358 = arith.constant 0 : i32
    %dma_start3A_359 = tpu.memref_slice %arg3[%add3A_351, %dma_start3A_358] : memref<8192x128xf32, #tpu.memory_space<hbm>> -> memref<32x128xf32, #tpu.memory_space<hbm>>
    tpu.enqueue_dma source(%dma_start3A_359 : memref<32x128xf32, #tpu.memory_space<hbm>>) target(%arg9 : memref<32x128xf32, #tpu.memory_space<vmem>>) target_semaphore(%arg12 : memref<!tpu.dma_semaphore, #tpu.memory_space<semaphore_mem>>)
    %dma_wait3A_360 = arith.constant 0 : i32
    %dma_wait3A_361 = tpu.memref_slice %arg2[%add3A_311, %dma_wait3A_360] : memref<16384x1024xf32, #tpu.memory_space<hbm>> -> memref<32x1024xf32, #tpu.memory_space<hbm>>
    %dma_wait3A_362 = arith.constant 0 : i32
    %dma_wait3A_363 = tpu.memref_slice %arg2[%add3A_311, %dma_wait3A_362] : memref<16384x1024xf32, #tpu.memory_space<hbm>> -> memref<32x1024xf32, #tpu.memory_space<hbm>>
    tpu.wait_dma2 semaphore(%arg11 : memref<!tpu.dma_semaphore, #tpu.memory_space<semaphore_mem>>) src(%dma_wait3A_363 : memref<32x1024xf32, #tpu.memory_space<hbm>>) dst(%arg5 : memref<32x1024xf32, #tpu.memory_space<vmem>>)
    %dma_wait3A_364 = arith.constant 0 : i32
    %dma_wait3A_365 = tpu.memref_slice %arg3[%add3A_313, %dma_wait3A_364] : memref<8192x128xf32, #tpu.memory_space<hbm>> -> memref<32x128xf32, #tpu.memory_space<hbm>>
    %dma_wait3A_366 = arith.constant 0 : i32
    %dma_wait3A_367 = tpu.memref_slice %arg3[%add3A_313, %dma_wait3A_366] : memref<8192x128xf32, #tpu.memory_space<hbm>> -> memref<32x128xf32, #tpu.memory_space<hbm>>
    tpu.wait_dma2 semaphore(%arg11 : memref<!tpu.dma_semaphore, #tpu.memory_space<semaphore_mem>>) src(%dma_wait3A_367 : memref<32x128xf32, #tpu.memory_space<hbm>>) dst(%arg8 : memref<32x128xf32, #tpu.memory_space<vmem>>)
    %add3A_368 = arith.constant 288 : i32
    %add3A_369 = arith.addi %mul3A_2, %add3A_368 : i32
    %dma_start3A_370 = arith.constant 0 : i32
    %dma_start3A_371 = tpu.memref_slice %arg4[%add3A_369, %dma_start3A_370] : memref<16384x1152xf32, #tpu.memory_space<hbm>> -> memref<32x1024xf32, #tpu.memory_space<hbm>>
    %dma_start3A_372 = arith.constant 0 : i32
    %dma_start3A_373 = tpu.memref_slice %arg4[%add3A_369, %dma_start3A_372] : memref<16384x1152xf32, #tpu.memory_space<hbm>> -> memref<32x1024xf32, #tpu.memory_space<hbm>>
    tpu.enqueue_dma source(%arg5 : memref<32x1024xf32, #tpu.memory_space<vmem>>) target(%dma_start3A_373 : memref<32x1024xf32, #tpu.memory_space<hbm>>) target_semaphore(%arg14 : memref<!tpu.dma_semaphore, #tpu.memory_space<semaphore_mem>>)
    %dma_start3A_374 = arith.constant 1024 : i32
    %dma_start3A_375 = tpu.memref_slice %arg4[%add3A_369, %dma_start3A_374] : memref<16384x1152xf32, #tpu.memory_space<hbm>> -> memref<32x128xf32, #tpu.memory_space<hbm>>
    %dma_start3A_376 = arith.constant 1024 : i32
    %dma_start3A_377 = tpu.memref_slice %arg4[%add3A_369, %dma_start3A_376] : memref<16384x1152xf32, #tpu.memory_space<hbm>> -> memref<32x128xf32, #tpu.memory_space<hbm>>
    tpu.enqueue_dma source(%arg8 : memref<32x128xf32, #tpu.memory_space<vmem>>) target(%dma_start3A_377 : memref<32x128xf32, #tpu.memory_space<hbm>>) target_semaphore(%arg14 : memref<!tpu.dma_semaphore, #tpu.memory_space<semaphore_mem>>)
    %dma_wait3A_378 = arith.constant 0 : i32
    %dma_wait3A_379 = tpu.memref_slice %arg4[%add3A_331, %dma_wait3A_378] : memref<16384x1152xf32, #tpu.memory_space<hbm>> -> memref<32x1024xf32, #tpu.memory_space<hbm>>
    %dma_wait3A_380 = arith.constant 0 : i32
    %dma_wait3A_381 = tpu.memref_slice %arg4[%add3A_331, %dma_wait3A_380] : memref<16384x1152xf32, #tpu.memory_space<hbm>> -> memref<32x1024xf32, #tpu.memory_space<hbm>>
    tpu.wait_dma2 semaphore(%arg16 : memref<!tpu.dma_semaphore, #tpu.memory_space<semaphore_mem>>) src(%arg7 : memref<32x1024xf32, #tpu.memory_space<vmem>>) dst(%dma_wait3A_381 : memref<32x1024xf32, #tpu.memory_space<hbm>>)
    %dma_wait3A_382 = arith.constant 1024 : i32
    %dma_wait3A_383 = tpu.memref_slice %arg4[%add3A_331, %dma_wait3A_382] : memref<16384x1152xf32, #tpu.memory_space<hbm>> -> memref<32x128xf32, #tpu.memory_space<hbm>>
    %dma_wait3A_384 = arith.constant 1024 : i32
    %dma_wait3A_385 = tpu.memref_slice %arg4[%add3A_331, %dma_wait3A_384] : memref<16384x1152xf32, #tpu.memory_space<hbm>> -> memref<32x128xf32, #tpu.memory_space<hbm>>
    tpu.wait_dma2 semaphore(%arg16 : memref<!tpu.dma_semaphore, #tpu.memory_space<semaphore_mem>>) src(%arg10 : memref<32x128xf32, #tpu.memory_space<vmem>>) dst(%dma_wait3A_385 : memref<32x128xf32, #tpu.memory_space<hbm>>)
    %add3A_386 = arith.constant 352 : i32
    %add3A_387 = arith.addi %mul3A_2, %add3A_386 : i32
    %add3A_388 = arith.constant 352 : i32
    %add3A_389 = arith.addi %rem3A_3, %add3A_388 : i32
    %dma_start3A_390 = arith.constant 0 : i32
    %dma_start3A_391 = tpu.memref_slice %arg2[%add3A_387, %dma_start3A_390] : memref<16384x1024xf32, #tpu.memory_space<hbm>> -> memref<32x1024xf32, #tpu.memory_space<hbm>>
    %dma_start3A_392 = arith.constant 0 : i32
    %dma_start3A_393 = tpu.memref_slice %arg2[%add3A_387, %dma_start3A_392] : memref<16384x1024xf32, #tpu.memory_space<hbm>> -> memref<32x1024xf32, #tpu.memory_space<hbm>>
    tpu.enqueue_dma source(%dma_start3A_393 : memref<32x1024xf32, #tpu.memory_space<hbm>>) target(%arg7 : memref<32x1024xf32, #tpu.memory_space<vmem>>) target_semaphore(%arg13 : memref<!tpu.dma_semaphore, #tpu.memory_space<semaphore_mem>>)
    %dma_start3A_394 = arith.constant 0 : i32
    %dma_start3A_395 = tpu.memref_slice %arg3[%add3A_389, %dma_start3A_394] : memref<8192x128xf32, #tpu.memory_space<hbm>> -> memref<32x128xf32, #tpu.memory_space<hbm>>
    %dma_start3A_396 = arith.constant 0 : i32
    %dma_start3A_397 = tpu.memref_slice %arg3[%add3A_389, %dma_start3A_396] : memref<8192x128xf32, #tpu.memory_space<hbm>> -> memref<32x128xf32, #tpu.memory_space<hbm>>
    tpu.enqueue_dma source(%dma_start3A_397 : memref<32x128xf32, #tpu.memory_space<hbm>>) target(%arg10 : memref<32x128xf32, #tpu.memory_space<vmem>>) target_semaphore(%arg13 : memref<!tpu.dma_semaphore, #tpu.memory_space<semaphore_mem>>)
    %dma_wait3A_398 = arith.constant 0 : i32
    %dma_wait3A_399 = tpu.memref_slice %arg2[%add3A_349, %dma_wait3A_398] : memref<16384x1024xf32, #tpu.memory_space<hbm>> -> memref<32x1024xf32, #tpu.memory_space<hbm>>
    %dma_wait3A_400 = arith.constant 0 : i32
    %dma_wait3A_401 = tpu.memref_slice %arg2[%add3A_349, %dma_wait3A_400] : memref<16384x1024xf32, #tpu.memory_space<hbm>> -> memref<32x1024xf32, #tpu.memory_space<hbm>>
    tpu.wait_dma2 semaphore(%arg12 : memref<!tpu.dma_semaphore, #tpu.memory_space<semaphore_mem>>) src(%dma_wait3A_401 : memref<32x1024xf32, #tpu.memory_space<hbm>>) dst(%arg6 : memref<32x1024xf32, #tpu.memory_space<vmem>>)
    %dma_wait3A_402 = arith.constant 0 : i32
    %dma_wait3A_403 = tpu.memref_slice %arg3[%add3A_351, %dma_wait3A_402] : memref<8192x128xf32, #tpu.memory_space<hbm>> -> memref<32x128xf32, #tpu.memory_space<hbm>>
    %dma_wait3A_404 = arith.constant 0 : i32
    %dma_wait3A_405 = tpu.memref_slice %arg3[%add3A_351, %dma_wait3A_404] : memref<8192x128xf32, #tpu.memory_space<hbm>> -> memref<32x128xf32, #tpu.memory_space<hbm>>
    tpu.wait_dma2 semaphore(%arg12 : memref<!tpu.dma_semaphore, #tpu.memory_space<semaphore_mem>>) src(%dma_wait3A_405 : memref<32x128xf32, #tpu.memory_space<hbm>>) dst(%arg9 : memref<32x128xf32, #tpu.memory_space<vmem>>)
    %add3A_406 = arith.constant 320 : i32
    %add3A_407 = arith.addi %mul3A_2, %add3A_406 : i32
    %dma_start3A_408 = arith.constant 0 : i32
    %dma_start3A_409 = tpu.memref_slice %arg4[%add3A_407, %dma_start3A_408] : memref<16384x1152xf32, #tpu.memory_space<hbm>> -> memref<32x1024xf32, #tpu.memory_space<hbm>>
    %dma_start3A_410 = arith.constant 0 : i32
    %dma_start3A_411 = tpu.memref_slice %arg4[%add3A_407, %dma_start3A_410] : memref<16384x1152xf32, #tpu.memory_space<hbm>> -> memref<32x1024xf32, #tpu.memory_space<hbm>>
    tpu.enqueue_dma source(%arg6 : memref<32x1024xf32, #tpu.memory_space<vmem>>) target(%dma_start3A_411 : memref<32x1024xf32, #tpu.memory_space<hbm>>) target_semaphore(%arg15 : memref<!tpu.dma_semaphore, #tpu.memory_space<semaphore_mem>>)
    %dma_start3A_412 = arith.constant 1024 : i32
    %dma_start3A_413 = tpu.memref_slice %arg4[%add3A_407, %dma_start3A_412] : memref<16384x1152xf32, #tpu.memory_space<hbm>> -> memref<32x128xf32, #tpu.memory_space<hbm>>
    %dma_start3A_414 = arith.constant 1024 : i32
    %dma_start3A_415 = tpu.memref_slice %arg4[%add3A_407, %dma_start3A_414] : memref<16384x1152xf32, #tpu.memory_space<hbm>> -> memref<32x128xf32, #tpu.memory_space<hbm>>
    tpu.enqueue_dma source(%arg9 : memref<32x128xf32, #tpu.memory_space<vmem>>) target(%dma_start3A_415 : memref<32x128xf32, #tpu.memory_space<hbm>>) target_semaphore(%arg15 : memref<!tpu.dma_semaphore, #tpu.memory_space<semaphore_mem>>)
    %dma_wait3A_416 = arith.constant 0 : i32
    %dma_wait3A_417 = tpu.memref_slice %arg4[%add3A_369, %dma_wait3A_416] : memref<16384x1152xf32, #tpu.memory_space<hbm>> -> memref<32x1024xf32, #tpu.memory_space<hbm>>
    %dma_wait3A_418 = arith.constant 0 : i32
    %dma_wait3A_419 = tpu.memref_slice %arg4[%add3A_369, %dma_wait3A_418] : memref<16384x1152xf32, #tpu.memory_space<hbm>> -> memref<32x1024xf32, #tpu.memory_space<hbm>>
    tpu.wait_dma2 semaphore(%arg14 : memref<!tpu.dma_semaphore, #tpu.memory_space<semaphore_mem>>) src(%arg5 : memref<32x1024xf32, #tpu.memory_space<vmem>>) dst(%dma_wait3A_419 : memref<32x1024xf32, #tpu.memory_space<hbm>>)
    %dma_wait3A_420 = arith.constant 1024 : i32
    %dma_wait3A_421 = tpu.memref_slice %arg4[%add3A_369, %dma_wait3A_420] : memref<16384x1152xf32, #tpu.memory_space<hbm>> -> memref<32x128xf32, #tpu.memory_space<hbm>>
    %dma_wait3A_422 = arith.constant 1024 : i32
    %dma_wait3A_423 = tpu.memref_slice %arg4[%add3A_369, %dma_wait3A_422] : memref<16384x1152xf32, #tpu.memory_space<hbm>> -> memref<32x128xf32, #tpu.memory_space<hbm>>
    tpu.wait_dma2 semaphore(%arg14 : memref<!tpu.dma_semaphore, #tpu.memory_space<semaphore_mem>>) src(%arg8 : memref<32x128xf32, #tpu.memory_space<vmem>>) dst(%dma_wait3A_423 : memref<32x128xf32, #tpu.memory_space<hbm>>)
    %add3A_424 = arith.constant 384 : i32
    %add3A_425 = arith.addi %mul3A_2, %add3A_424 : i32
    %add3A_426 = arith.constant 384 : i32
    %add3A_427 = arith.addi %rem3A_3, %add3A_426 : i32
    %dma_start3A_428 = arith.constant 0 : i32
    %dma_start3A_429 = tpu.memref_slice %arg2[%add3A_425, %dma_start3A_428] : memref<16384x1024xf32, #tpu.memory_space<hbm>> -> memref<32x1024xf32, #tpu.memory_space<hbm>>
    %dma_start3A_430 = arith.constant 0 : i32
    %dma_start3A_431 = tpu.memref_slice %arg2[%add3A_425, %dma_start3A_430] : memref<16384x1024xf32, #tpu.memory_space<hbm>> -> memref<32x1024xf32, #tpu.memory_space<hbm>>
    tpu.enqueue_dma source(%dma_start3A_431 : memref<32x1024xf32, #tpu.memory_space<hbm>>) target(%arg5 : memref<32x1024xf32, #tpu.memory_space<vmem>>) target_semaphore(%arg11 : memref<!tpu.dma_semaphore, #tpu.memory_space<semaphore_mem>>)
    %dma_start3A_432 = arith.constant 0 : i32
    %dma_start3A_433 = tpu.memref_slice %arg3[%add3A_427, %dma_start3A_432] : memref<8192x128xf32, #tpu.memory_space<hbm>> -> memref<32x128xf32, #tpu.memory_space<hbm>>
    %dma_start3A_434 = arith.constant 0 : i32
    %dma_start3A_435 = tpu.memref_slice %arg3[%add3A_427, %dma_start3A_434] : memref<8192x128xf32, #tpu.memory_space<hbm>> -> memref<32x128xf32, #tpu.memory_space<hbm>>
    tpu.enqueue_dma source(%dma_start3A_435 : memref<32x128xf32, #tpu.memory_space<hbm>>) target(%arg8 : memref<32x128xf32, #tpu.memory_space<vmem>>) target_semaphore(%arg11 : memref<!tpu.dma_semaphore, #tpu.memory_space<semaphore_mem>>)
    %dma_wait3A_436 = arith.constant 0 : i32
    %dma_wait3A_437 = tpu.memref_slice %arg2[%add3A_387, %dma_wait3A_436] : memref<16384x1024xf32, #tpu.memory_space<hbm>> -> memref<32x1024xf32, #tpu.memory_space<hbm>>
    %dma_wait3A_438 = arith.constant 0 : i32
    %dma_wait3A_439 = tpu.memref_slice %arg2[%add3A_387, %dma_wait3A_438] : memref<16384x1024xf32, #tpu.memory_space<hbm>> -> memref<32x1024xf32, #tpu.memory_space<hbm>>
    tpu.wait_dma2 semaphore(%arg13 : memref<!tpu.dma_semaphore, #tpu.memory_space<semaphore_mem>>) src(%dma_wait3A_439 : memref<32x1024xf32, #tpu.memory_space<hbm>>) dst(%arg7 : memref<32x1024xf32, #tpu.memory_space<vmem>>)
    %dma_wait3A_440 = arith.constant 0 : i32
    %dma_wait3A_441 = tpu.memref_slice %arg3[%add3A_389, %dma_wait3A_440] : memref<8192x128xf32, #tpu.memory_space<hbm>> -> memref<32x128xf32, #tpu.memory_space<hbm>>
    %dma_wait3A_442 = arith.constant 0 : i32
    %dma_wait3A_443 = tpu.memref_slice %arg3[%add3A_389, %dma_wait3A_442] : memref<8192x128xf32, #tpu.memory_space<hbm>> -> memref<32x128xf32, #tpu.memory_space<hbm>>
    tpu.wait_dma2 semaphore(%arg13 : memref<!tpu.dma_semaphore, #tpu.memory_space<semaphore_mem>>) src(%dma_wait3A_443 : memref<32x128xf32, #tpu.memory_space<hbm>>) dst(%arg10 : memref<32x128xf32, #tpu.memory_space<vmem>>)
    %add3A_444 = arith.constant 352 : i32
    %add3A_445 = arith.addi %mul3A_2, %add3A_444 : i32
    %dma_start3A_446 = arith.constant 0 : i32
    %dma_start3A_447 = tpu.memref_slice %arg4[%add3A_445, %dma_start3A_446] : memref<16384x1152xf32, #tpu.memory_space<hbm>> -> memref<32x1024xf32, #tpu.memory_space<hbm>>
    %dma_start3A_448 = arith.constant 0 : i32
    %dma_start3A_449 = tpu.memref_slice %arg4[%add3A_445, %dma_start3A_448] : memref<16384x1152xf32, #tpu.memory_space<hbm>> -> memref<32x1024xf32, #tpu.memory_space<hbm>>
    tpu.enqueue_dma source(%arg7 : memref<32x1024xf32, #tpu.memory_space<vmem>>) target(%dma_start3A_449 : memref<32x1024xf32, #tpu.memory_space<hbm>>) target_semaphore(%arg16 : memref<!tpu.dma_semaphore, #tpu.memory_space<semaphore_mem>>)
    %dma_start3A_450 = arith.constant 1024 : i32
    %dma_start3A_451 = tpu.memref_slice %arg4[%add3A_445, %dma_start3A_450] : memref<16384x1152xf32, #tpu.memory_space<hbm>> -> memref<32x128xf32, #tpu.memory_space<hbm>>
    %dma_start3A_452 = arith.constant 1024 : i32
    %dma_start3A_453 = tpu.memref_slice %arg4[%add3A_445, %dma_start3A_452] : memref<16384x1152xf32, #tpu.memory_space<hbm>> -> memref<32x128xf32, #tpu.memory_space<hbm>>
    tpu.enqueue_dma source(%arg10 : memref<32x128xf32, #tpu.memory_space<vmem>>) target(%dma_start3A_453 : memref<32x128xf32, #tpu.memory_space<hbm>>) target_semaphore(%arg16 : memref<!tpu.dma_semaphore, #tpu.memory_space<semaphore_mem>>)
    %dma_wait3A_454 = arith.constant 0 : i32
    %dma_wait3A_455 = tpu.memref_slice %arg4[%add3A_407, %dma_wait3A_454] : memref<16384x1152xf32, #tpu.memory_space<hbm>> -> memref<32x1024xf32, #tpu.memory_space<hbm>>
    %dma_wait3A_456 = arith.constant 0 : i32
    %dma_wait3A_457 = tpu.memref_slice %arg4[%add3A_407, %dma_wait3A_456] : memref<16384x1152xf32, #tpu.memory_space<hbm>> -> memref<32x1024xf32, #tpu.memory_space<hbm>>
    tpu.wait_dma2 semaphore(%arg15 : memref<!tpu.dma_semaphore, #tpu.memory_space<semaphore_mem>>) src(%arg6 : memref<32x1024xf32, #tpu.memory_space<vmem>>) dst(%dma_wait3A_457 : memref<32x1024xf32, #tpu.memory_space<hbm>>)
    %dma_wait3A_458 = arith.constant 1024 : i32
    %dma_wait3A_459 = tpu.memref_slice %arg4[%add3A_407, %dma_wait3A_458] : memref<16384x1152xf32, #tpu.memory_space<hbm>> -> memref<32x128xf32, #tpu.memory_space<hbm>>
    %dma_wait3A_460 = arith.constant 1024 : i32
    %dma_wait3A_461 = tpu.memref_slice %arg4[%add3A_407, %dma_wait3A_460] : memref<16384x1152xf32, #tpu.memory_space<hbm>> -> memref<32x128xf32, #tpu.memory_space<hbm>>
    tpu.wait_dma2 semaphore(%arg15 : memref<!tpu.dma_semaphore, #tpu.memory_space<semaphore_mem>>) src(%arg9 : memref<32x128xf32, #tpu.memory_space<vmem>>) dst(%dma_wait3A_461 : memref<32x128xf32, #tpu.memory_space<hbm>>)
    %add3A_462 = arith.constant 416 : i32
    %add3A_463 = arith.addi %mul3A_2, %add3A_462 : i32
    %add3A_464 = arith.constant 416 : i32
    %add3A_465 = arith.addi %rem3A_3, %add3A_464 : i32
    %dma_start3A_466 = arith.constant 0 : i32
    %dma_start3A_467 = tpu.memref_slice %arg2[%add3A_463, %dma_start3A_466] : memref<16384x1024xf32, #tpu.memory_space<hbm>> -> memref<32x1024xf32, #tpu.memory_space<hbm>>
    %dma_start3A_468 = arith.constant 0 : i32
    %dma_start3A_469 = tpu.memref_slice %arg2[%add3A_463, %dma_start3A_468] : memref<16384x1024xf32, #tpu.memory_space<hbm>> -> memref<32x1024xf32, #tpu.memory_space<hbm>>
    tpu.enqueue_dma source(%dma_start3A_469 : memref<32x1024xf32, #tpu.memory_space<hbm>>) target(%arg6 : memref<32x1024xf32, #tpu.memory_space<vmem>>) target_semaphore(%arg12 : memref<!tpu.dma_semaphore, #tpu.memory_space<semaphore_mem>>)
    %dma_start3A_470 = arith.constant 0 : i32
    %dma_start3A_471 = tpu.memref_slice %arg3[%add3A_465, %dma_start3A_470] : memref<8192x128xf32, #tpu.memory_space<hbm>> -> memref<32x128xf32, #tpu.memory_space<hbm>>
    %dma_start3A_472 = arith.constant 0 : i32
    %dma_start3A_473 = tpu.memref_slice %arg3[%add3A_465, %dma_start3A_472] : memref<8192x128xf32, #tpu.memory_space<hbm>> -> memref<32x128xf32, #tpu.memory_space<hbm>>
    tpu.enqueue_dma source(%dma_start3A_473 : memref<32x128xf32, #tpu.memory_space<hbm>>) target(%arg9 : memref<32x128xf32, #tpu.memory_space<vmem>>) target_semaphore(%arg12 : memref<!tpu.dma_semaphore, #tpu.memory_space<semaphore_mem>>)
    %dma_wait3A_474 = arith.constant 0 : i32
    %dma_wait3A_475 = tpu.memref_slice %arg2[%add3A_425, %dma_wait3A_474] : memref<16384x1024xf32, #tpu.memory_space<hbm>> -> memref<32x1024xf32, #tpu.memory_space<hbm>>
    %dma_wait3A_476 = arith.constant 0 : i32
    %dma_wait3A_477 = tpu.memref_slice %arg2[%add3A_425, %dma_wait3A_476] : memref<16384x1024xf32, #tpu.memory_space<hbm>> -> memref<32x1024xf32, #tpu.memory_space<hbm>>
    tpu.wait_dma2 semaphore(%arg11 : memref<!tpu.dma_semaphore, #tpu.memory_space<semaphore_mem>>) src(%dma_wait3A_477 : memref<32x1024xf32, #tpu.memory_space<hbm>>) dst(%arg5 : memref<32x1024xf32, #tpu.memory_space<vmem>>)
    %dma_wait3A_478 = arith.constant 0 : i32
    %dma_wait3A_479 = tpu.memref_slice %arg3[%add3A_427, %dma_wait3A_478] : memref<8192x128xf32, #tpu.memory_space<hbm>> -> memref<32x128xf32, #tpu.memory_space<hbm>>
    %dma_wait3A_480 = arith.constant 0 : i32
    %dma_wait3A_481 = tpu.memref_slice %arg3[%add3A_427, %dma_wait3A_480] : memref<8192x128xf32, #tpu.memory_space<hbm>> -> memref<32x128xf32, #tpu.memory_space<hbm>>
    tpu.wait_dma2 semaphore(%arg11 : memref<!tpu.dma_semaphore, #tpu.memory_space<semaphore_mem>>) src(%dma_wait3A_481 : memref<32x128xf32, #tpu.memory_space<hbm>>) dst(%arg8 : memref<32x128xf32, #tpu.memory_space<vmem>>)
    %add3A_482 = arith.constant 384 : i32
    %add3A_483 = arith.addi %mul3A_2, %add3A_482 : i32
    %dma_start3A_484 = arith.constant 0 : i32
    %dma_start3A_485 = tpu.memref_slice %arg4[%add3A_483, %dma_start3A_484] : memref<16384x1152xf32, #tpu.memory_space<hbm>> -> memref<32x1024xf32, #tpu.memory_space<hbm>>
    %dma_start3A_486 = arith.constant 0 : i32
    %dma_start3A_487 = tpu.memref_slice %arg4[%add3A_483, %dma_start3A_486] : memref<16384x1152xf32, #tpu.memory_space<hbm>> -> memref<32x1024xf32, #tpu.memory_space<hbm>>
    tpu.enqueue_dma source(%arg5 : memref<32x1024xf32, #tpu.memory_space<vmem>>) target(%dma_start3A_487 : memref<32x1024xf32, #tpu.memory_space<hbm>>) target_semaphore(%arg14 : memref<!tpu.dma_semaphore, #tpu.memory_space<semaphore_mem>>)
    %dma_start3A_488 = arith.constant 1024 : i32
    %dma_start3A_489 = tpu.memref_slice %arg4[%add3A_483, %dma_start3A_488] : memref<16384x1152xf32, #tpu.memory_space<hbm>> -> memref<32x128xf32, #tpu.memory_space<hbm>>
    %dma_start3A_490 = arith.constant 1024 : i32
    %dma_start3A_491 = tpu.memref_slice %arg4[%add3A_483, %dma_start3A_490] : memref<16384x1152xf32, #tpu.memory_space<hbm>> -> memref<32x128xf32, #tpu.memory_space<hbm>>
    tpu.enqueue_dma source(%arg8 : memref<32x128xf32, #tpu.memory_space<vmem>>) target(%dma_start3A_491 : memref<32x128xf32, #tpu.memory_space<hbm>>) target_semaphore(%arg14 : memref<!tpu.dma_semaphore, #tpu.memory_space<semaphore_mem>>)
    %dma_wait3A_492 = arith.constant 0 : i32
    %dma_wait3A_493 = tpu.memref_slice %arg4[%add3A_445, %dma_wait3A_492] : memref<16384x1152xf32, #tpu.memory_space<hbm>> -> memref<32x1024xf32, #tpu.memory_space<hbm>>
    %dma_wait3A_494 = arith.constant 0 : i32
    %dma_wait3A_495 = tpu.memref_slice %arg4[%add3A_445, %dma_wait3A_494] : memref<16384x1152xf32, #tpu.memory_space<hbm>> -> memref<32x1024xf32, #tpu.memory_space<hbm>>
    tpu.wait_dma2 semaphore(%arg16 : memref<!tpu.dma_semaphore, #tpu.memory_space<semaphore_mem>>) src(%arg7 : memref<32x1024xf32, #tpu.memory_space<vmem>>) dst(%dma_wait3A_495 : memref<32x1024xf32, #tpu.memory_space<hbm>>)
    %dma_wait3A_496 = arith.constant 1024 : i32
    %dma_wait3A_497 = tpu.memref_slice %arg4[%add3A_445, %dma_wait3A_496] : memref<16384x1152xf32, #tpu.memory_space<hbm>> -> memref<32x128xf32, #tpu.memory_space<hbm>>
    %dma_wait3A_498 = arith.constant 1024 : i32
    %dma_wait3A_499 = tpu.memref_slice %arg4[%add3A_445, %dma_wait3A_498] : memref<16384x1152xf32, #tpu.memory_space<hbm>> -> memref<32x128xf32, #tpu.memory_space<hbm>>
    tpu.wait_dma2 semaphore(%arg16 : memref<!tpu.dma_semaphore, #tpu.memory_space<semaphore_mem>>) src(%arg10 : memref<32x128xf32, #tpu.memory_space<vmem>>) dst(%dma_wait3A_499 : memref<32x128xf32, #tpu.memory_space<hbm>>)
    %add3A_500 = arith.constant 448 : i32
    %add3A_501 = arith.addi %mul3A_2, %add3A_500 : i32
    %add3A_502 = arith.constant 448 : i32
    %add3A_503 = arith.addi %rem3A_3, %add3A_502 : i32
    %dma_start3A_504 = arith.constant 0 : i32
    %dma_start3A_505 = tpu.memref_slice %arg2[%add3A_501, %dma_start3A_504] : memref<16384x1024xf32, #tpu.memory_space<hbm>> -> memref<32x1024xf32, #tpu.memory_space<hbm>>
    %dma_start3A_506 = arith.constant 0 : i32
    %dma_start3A_507 = tpu.memref_slice %arg2[%add3A_501, %dma_start3A_506] : memref<16384x1024xf32, #tpu.memory_space<hbm>> -> memref<32x1024xf32, #tpu.memory_space<hbm>>
    tpu.enqueue_dma source(%dma_start3A_507 : memref<32x1024xf32, #tpu.memory_space<hbm>>) target(%arg7 : memref<32x1024xf32, #tpu.memory_space<vmem>>) target_semaphore(%arg13 : memref<!tpu.dma_semaphore, #tpu.memory_space<semaphore_mem>>)
    %dma_start3A_508 = arith.constant 0 : i32
    %dma_start3A_509 = tpu.memref_slice %arg3[%add3A_503, %dma_start3A_508] : memref<8192x128xf32, #tpu.memory_space<hbm>> -> memref<32x128xf32, #tpu.memory_space<hbm>>
    %dma_start3A_510 = arith.constant 0 : i32
    %dma_start3A_511 = tpu.memref_slice %arg3[%add3A_503, %dma_start3A_510] : memref<8192x128xf32, #tpu.memory_space<hbm>> -> memref<32x128xf32, #tpu.memory_space<hbm>>
    tpu.enqueue_dma source(%dma_start3A_511 : memref<32x128xf32, #tpu.memory_space<hbm>>) target(%arg10 : memref<32x128xf32, #tpu.memory_space<vmem>>) target_semaphore(%arg13 : memref<!tpu.dma_semaphore, #tpu.memory_space<semaphore_mem>>)
    %dma_wait3A_512 = arith.constant 0 : i32
    %dma_wait3A_513 = tpu.memref_slice %arg2[%add3A_463, %dma_wait3A_512] : memref<16384x1024xf32, #tpu.memory_space<hbm>> -> memref<32x1024xf32, #tpu.memory_space<hbm>>
    %dma_wait3A_514 = arith.constant 0 : i32
    %dma_wait3A_515 = tpu.memref_slice %arg2[%add3A_463, %dma_wait3A_514] : memref<16384x1024xf32, #tpu.memory_space<hbm>> -> memref<32x1024xf32, #tpu.memory_space<hbm>>
    tpu.wait_dma2 semaphore(%arg12 : memref<!tpu.dma_semaphore, #tpu.memory_space<semaphore_mem>>) src(%dma_wait3A_515 : memref<32x1024xf32, #tpu.memory_space<hbm>>) dst(%arg6 : memref<32x1024xf32, #tpu.memory_space<vmem>>)
    %dma_wait3A_516 = arith.constant 0 : i32
    %dma_wait3A_517 = tpu.memref_slice %arg3[%add3A_465, %dma_wait3A_516] : memref<8192x128xf32, #tpu.memory_space<hbm>> -> memref<32x128xf32, #tpu.memory_space<hbm>>
    %dma_wait3A_518 = arith.constant 0 : i32
    %dma_wait3A_519 = tpu.memref_slice %arg3[%add3A_465, %dma_wait3A_518] : memref<8192x128xf32, #tpu.memory_space<hbm>> -> memref<32x128xf32, #tpu.memory_space<hbm>>
    tpu.wait_dma2 semaphore(%arg12 : memref<!tpu.dma_semaphore, #tpu.memory_space<semaphore_mem>>) src(%dma_wait3A_519 : memref<32x128xf32, #tpu.memory_space<hbm>>) dst(%arg9 : memref<32x128xf32, #tpu.memory_space<vmem>>)
    %add3A_520 = arith.constant 416 : i32
    %add3A_521 = arith.addi %mul3A_2, %add3A_520 : i32
    %dma_start3A_522 = arith.constant 0 : i32
    %dma_start3A_523 = tpu.memref_slice %arg4[%add3A_521, %dma_start3A_522] : memref<16384x1152xf32, #tpu.memory_space<hbm>> -> memref<32x1024xf32, #tpu.memory_space<hbm>>
    %dma_start3A_524 = arith.constant 0 : i32
    %dma_start3A_525 = tpu.memref_slice %arg4[%add3A_521, %dma_start3A_524] : memref<16384x1152xf32, #tpu.memory_space<hbm>> -> memref<32x1024xf32, #tpu.memory_space<hbm>>
    tpu.enqueue_dma source(%arg6 : memref<32x1024xf32, #tpu.memory_space<vmem>>) target(%dma_start3A_525 : memref<32x1024xf32, #tpu.memory_space<hbm>>) target_semaphore(%arg15 : memref<!tpu.dma_semaphore, #tpu.memory_space<semaphore_mem>>)
    %dma_start3A_526 = arith.constant 1024 : i32
    %dma_start3A_527 = tpu.memref_slice %arg4[%add3A_521, %dma_start3A_526] : memref<16384x1152xf32, #tpu.memory_space<hbm>> -> memref<32x128xf32, #tpu.memory_space<hbm>>
    %dma_start3A_528 = arith.constant 1024 : i32
    %dma_start3A_529 = tpu.memref_slice %arg4[%add3A_521, %dma_start3A_528] : memref<16384x1152xf32, #tpu.memory_space<hbm>> -> memref<32x128xf32, #tpu.memory_space<hbm>>
    tpu.enqueue_dma source(%arg9 : memref<32x128xf32, #tpu.memory_space<vmem>>) target(%dma_start3A_529 : memref<32x128xf32, #tpu.memory_space<hbm>>) target_semaphore(%arg15 : memref<!tpu.dma_semaphore, #tpu.memory_space<semaphore_mem>>)
    %dma_wait3A_530 = arith.constant 0 : i32
    %dma_wait3A_531 = tpu.memref_slice %arg4[%add3A_483, %dma_wait3A_530] : memref<16384x1152xf32, #tpu.memory_space<hbm>> -> memref<32x1024xf32, #tpu.memory_space<hbm>>
    %dma_wait3A_532 = arith.constant 0 : i32
    %dma_wait3A_533 = tpu.memref_slice %arg4[%add3A_483, %dma_wait3A_532] : memref<16384x1152xf32, #tpu.memory_space<hbm>> -> memref<32x1024xf32, #tpu.memory_space<hbm>>
    tpu.wait_dma2 semaphore(%arg14 : memref<!tpu.dma_semaphore, #tpu.memory_space<semaphore_mem>>) src(%arg5 : memref<32x1024xf32, #tpu.memory_space<vmem>>) dst(%dma_wait3A_533 : memref<32x1024xf32, #tpu.memory_space<hbm>>)
    %dma_wait3A_534 = arith.constant 1024 : i32
    %dma_wait3A_535 = tpu.memref_slice %arg4[%add3A_483, %dma_wait3A_534] : memref<16384x1152xf32, #tpu.memory_space<hbm>> -> memref<32x128xf32, #tpu.memory_space<hbm>>
    %dma_wait3A_536 = arith.constant 1024 : i32
    %dma_wait3A_537 = tpu.memref_slice %arg4[%add3A_483, %dma_wait3A_536] : memref<16384x1152xf32, #tpu.memory_space<hbm>> -> memref<32x128xf32, #tpu.memory_space<hbm>>
    tpu.wait_dma2 semaphore(%arg14 : memref<!tpu.dma_semaphore, #tpu.memory_space<semaphore_mem>>) src(%arg8 : memref<32x128xf32, #tpu.memory_space<vmem>>) dst(%dma_wait3A_537 : memref<32x128xf32, #tpu.memory_space<hbm>>)
    %add3A_538 = arith.constant 480 : i32
    %add3A_539 = arith.addi %mul3A_2, %add3A_538 : i32
    %add3A_540 = arith.constant 480 : i32
    %add3A_541 = arith.addi %rem3A_3, %add3A_540 : i32
    %dma_start3A_542 = arith.constant 0 : i32
    %dma_start3A_543 = tpu.memref_slice %arg2[%add3A_539, %dma_start3A_542] : memref<16384x1024xf32, #tpu.memory_space<hbm>> -> memref<32x1024xf32, #tpu.memory_space<hbm>>
    %dma_start3A_544 = arith.constant 0 : i32
    %dma_start3A_545 = tpu.memref_slice %arg2[%add3A_539, %dma_start3A_544] : memref<16384x1024xf32, #tpu.memory_space<hbm>> -> memref<32x1024xf32, #tpu.memory_space<hbm>>
    tpu.enqueue_dma source(%dma_start3A_545 : memref<32x1024xf32, #tpu.memory_space<hbm>>) target(%arg5 : memref<32x1024xf32, #tpu.memory_space<vmem>>) target_semaphore(%arg11 : memref<!tpu.dma_semaphore, #tpu.memory_space<semaphore_mem>>)
    %dma_start3A_546 = arith.constant 0 : i32
    %dma_start3A_547 = tpu.memref_slice %arg3[%add3A_541, %dma_start3A_546] : memref<8192x128xf32, #tpu.memory_space<hbm>> -> memref<32x128xf32, #tpu.memory_space<hbm>>
    %dma_start3A_548 = arith.constant 0 : i32
    %dma_start3A_549 = tpu.memref_slice %arg3[%add3A_541, %dma_start3A_548] : memref<8192x128xf32, #tpu.memory_space<hbm>> -> memref<32x128xf32, #tpu.memory_space<hbm>>
    tpu.enqueue_dma source(%dma_start3A_549 : memref<32x128xf32, #tpu.memory_space<hbm>>) target(%arg8 : memref<32x128xf32, #tpu.memory_space<vmem>>) target_semaphore(%arg11 : memref<!tpu.dma_semaphore, #tpu.memory_space<semaphore_mem>>)
    %dma_wait3A_550 = arith.constant 0 : i32
    %dma_wait3A_551 = tpu.memref_slice %arg2[%add3A_501, %dma_wait3A_550] : memref<16384x1024xf32, #tpu.memory_space<hbm>> -> memref<32x1024xf32, #tpu.memory_space<hbm>>
    %dma_wait3A_552 = arith.constant 0 : i32
    %dma_wait3A_553 = tpu.memref_slice %arg2[%add3A_501, %dma_wait3A_552] : memref<16384x1024xf32, #tpu.memory_space<hbm>> -> memref<32x1024xf32, #tpu.memory_space<hbm>>
    tpu.wait_dma2 semaphore(%arg13 : memref<!tpu.dma_semaphore, #tpu.memory_space<semaphore_mem>>) src(%dma_wait3A_553 : memref<32x1024xf32, #tpu.memory_space<hbm>>) dst(%arg7 : memref<32x1024xf32, #tpu.memory_space<vmem>>)
    %dma_wait3A_554 = arith.constant 0 : i32
    %dma_wait3A_555 = tpu.memref_slice %arg3[%add3A_503, %dma_wait3A_554] : memref<8192x128xf32, #tpu.memory_space<hbm>> -> memref<32x128xf32, #tpu.memory_space<hbm>>
    %dma_wait3A_556 = arith.constant 0 : i32
    %dma_wait3A_557 = tpu.memref_slice %arg3[%add3A_503, %dma_wait3A_556] : memref<8192x128xf32, #tpu.memory_space<hbm>> -> memref<32x128xf32, #tpu.memory_space<hbm>>
    tpu.wait_dma2 semaphore(%arg13 : memref<!tpu.dma_semaphore, #tpu.memory_space<semaphore_mem>>) src(%dma_wait3A_557 : memref<32x128xf32, #tpu.memory_space<hbm>>) dst(%arg10 : memref<32x128xf32, #tpu.memory_space<vmem>>)
    %add3A_558 = arith.constant 448 : i32
    %add3A_559 = arith.addi %mul3A_2, %add3A_558 : i32
    %dma_start3A_560 = arith.constant 0 : i32
    %dma_start3A_561 = tpu.memref_slice %arg4[%add3A_559, %dma_start3A_560] : memref<16384x1152xf32, #tpu.memory_space<hbm>> -> memref<32x1024xf32, #tpu.memory_space<hbm>>
    %dma_start3A_562 = arith.constant 0 : i32
    %dma_start3A_563 = tpu.memref_slice %arg4[%add3A_559, %dma_start3A_562] : memref<16384x1152xf32, #tpu.memory_space<hbm>> -> memref<32x1024xf32, #tpu.memory_space<hbm>>
    tpu.enqueue_dma source(%arg7 : memref<32x1024xf32, #tpu.memory_space<vmem>>) target(%dma_start3A_563 : memref<32x1024xf32, #tpu.memory_space<hbm>>) target_semaphore(%arg16 : memref<!tpu.dma_semaphore, #tpu.memory_space<semaphore_mem>>)
    %dma_start3A_564 = arith.constant 1024 : i32
    %dma_start3A_565 = tpu.memref_slice %arg4[%add3A_559, %dma_start3A_564] : memref<16384x1152xf32, #tpu.memory_space<hbm>> -> memref<32x128xf32, #tpu.memory_space<hbm>>
    %dma_start3A_566 = arith.constant 1024 : i32
    %dma_start3A_567 = tpu.memref_slice %arg4[%add3A_559, %dma_start3A_566] : memref<16384x1152xf32, #tpu.memory_space<hbm>> -> memref<32x128xf32, #tpu.memory_space<hbm>>
    tpu.enqueue_dma source(%arg10 : memref<32x128xf32, #tpu.memory_space<vmem>>) target(%dma_start3A_567 : memref<32x128xf32, #tpu.memory_space<hbm>>) target_semaphore(%arg16 : memref<!tpu.dma_semaphore, #tpu.memory_space<semaphore_mem>>)
    %dma_wait3A_568 = arith.constant 0 : i32
    %dma_wait3A_569 = tpu.memref_slice %arg2[%add3A_539, %dma_wait3A_568] : memref<16384x1024xf32, #tpu.memory_space<hbm>> -> memref<32x1024xf32, #tpu.memory_space<hbm>>
    %dma_wait3A_570 = arith.constant 0 : i32
    %dma_wait3A_571 = tpu.memref_slice %arg2[%add3A_539, %dma_wait3A_570] : memref<16384x1024xf32, #tpu.memory_space<hbm>> -> memref<32x1024xf32, #tpu.memory_space<hbm>>
    tpu.wait_dma2 semaphore(%arg11 : memref<!tpu.dma_semaphore, #tpu.memory_space<semaphore_mem>>) src(%dma_wait3A_571 : memref<32x1024xf32, #tpu.memory_space<hbm>>) dst(%arg5 : memref<32x1024xf32, #tpu.memory_space<vmem>>)
    %dma_wait3A_572 = arith.constant 0 : i32
    %dma_wait3A_573 = tpu.memref_slice %arg3[%add3A_541, %dma_wait3A_572] : memref<8192x128xf32, #tpu.memory_space<hbm>> -> memref<32x128xf32, #tpu.memory_space<hbm>>
    %dma_wait3A_574 = arith.constant 0 : i32
    %dma_wait3A_575 = tpu.memref_slice %arg3[%add3A_541, %dma_wait3A_574] : memref<8192x128xf32, #tpu.memory_space<hbm>> -> memref<32x128xf32, #tpu.memory_space<hbm>>
    tpu.wait_dma2 semaphore(%arg11 : memref<!tpu.dma_semaphore, #tpu.memory_space<semaphore_mem>>) src(%dma_wait3A_575 : memref<32x128xf32, #tpu.memory_space<hbm>>) dst(%arg8 : memref<32x128xf32, #tpu.memory_space<vmem>>)
    %add3A_576 = arith.constant 480 : i32
    %add3A_577 = arith.addi %mul3A_2, %add3A_576 : i32
    %dma_start3A_578 = arith.constant 0 : i32
    %dma_start3A_579 = tpu.memref_slice %arg4[%add3A_577, %dma_start3A_578] : memref<16384x1152xf32, #tpu.memory_space<hbm>> -> memref<32x1024xf32, #tpu.memory_space<hbm>>
    %dma_start3A_580 = arith.constant 0 : i32
    %dma_start3A_581 = tpu.memref_slice %arg4[%add3A_577, %dma_start3A_580] : memref<16384x1152xf32, #tpu.memory_space<hbm>> -> memref<32x1024xf32, #tpu.memory_space<hbm>>
    tpu.enqueue_dma source(%arg5 : memref<32x1024xf32, #tpu.memory_space<vmem>>) target(%dma_start3A_581 : memref<32x1024xf32, #tpu.memory_space<hbm>>) target_semaphore(%arg14 : memref<!tpu.dma_semaphore, #tpu.memory_space<semaphore_mem>>)
    %dma_start3A_582 = arith.constant 1024 : i32
    %dma_start3A_583 = tpu.memref_slice %arg4[%add3A_577, %dma_start3A_582] : memref<16384x1152xf32, #tpu.memory_space<hbm>> -> memref<32x128xf32, #tpu.memory_space<hbm>>
    %dma_start3A_584 = arith.constant 1024 : i32
    %dma_start3A_585 = tpu.memref_slice %arg4[%add3A_577, %dma_start3A_584] : memref<16384x1152xf32, #tpu.memory_space<hbm>> -> memref<32x128xf32, #tpu.memory_space<hbm>>
    tpu.enqueue_dma source(%arg8 : memref<32x128xf32, #tpu.memory_space<vmem>>) target(%dma_start3A_585 : memref<32x128xf32, #tpu.memory_space<hbm>>) target_semaphore(%arg14 : memref<!tpu.dma_semaphore, #tpu.memory_space<semaphore_mem>>)
    %dma_wait3A_586 = arith.constant 0 : i32
    %dma_wait3A_587 = tpu.memref_slice %arg4[%add3A_521, %dma_wait3A_586] : memref<16384x1152xf32, #tpu.memory_space<hbm>> -> memref<32x1024xf32, #tpu.memory_space<hbm>>
    %dma_wait3A_588 = arith.constant 0 : i32
    %dma_wait3A_589 = tpu.memref_slice %arg4[%add3A_521, %dma_wait3A_588] : memref<16384x1152xf32, #tpu.memory_space<hbm>> -> memref<32x1024xf32, #tpu.memory_space<hbm>>
    tpu.wait_dma2 semaphore(%arg15 : memref<!tpu.dma_semaphore, #tpu.memory_space<semaphore_mem>>) src(%arg6 : memref<32x1024xf32, #tpu.memory_space<vmem>>) dst(%dma_wait3A_589 : memref<32x1024xf32, #tpu.memory_space<hbm>>)
    %dma_wait3A_590 = arith.constant 1024 : i32
    %dma_wait3A_591 = tpu.memref_slice %arg4[%add3A_521, %dma_wait3A_590] : memref<16384x1152xf32, #tpu.memory_space<hbm>> -> memref<32x128xf32, #tpu.memory_space<hbm>>
    %dma_wait3A_592 = arith.constant 1024 : i32
    %dma_wait3A_593 = tpu.memref_slice %arg4[%add3A_521, %dma_wait3A_592] : memref<16384x1152xf32, #tpu.memory_space<hbm>> -> memref<32x128xf32, #tpu.memory_space<hbm>>
    tpu.wait_dma2 semaphore(%arg15 : memref<!tpu.dma_semaphore, #tpu.memory_space<semaphore_mem>>) src(%arg9 : memref<32x128xf32, #tpu.memory_space<vmem>>) dst(%dma_wait3A_593 : memref<32x128xf32, #tpu.memory_space<hbm>>)
    %dma_wait3A_594 = arith.constant 0 : i32
    %dma_wait3A_595 = tpu.memref_slice %arg4[%add3A_559, %dma_wait3A_594] : memref<16384x1152xf32, #tpu.memory_space<hbm>> -> memref<32x1024xf32, #tpu.memory_space<hbm>>
    %dma_wait3A_596 = arith.constant 0 : i32
    %dma_wait3A_597 = tpu.memref_slice %arg4[%add3A_559, %dma_wait3A_596] : memref<16384x1152xf32, #tpu.memory_space<hbm>> -> memref<32x1024xf32, #tpu.memory_space<hbm>>
    tpu.wait_dma2 semaphore(%arg16 : memref<!tpu.dma_semaphore, #tpu.memory_space<semaphore_mem>>) src(%arg7 : memref<32x1024xf32, #tpu.memory_space<vmem>>) dst(%dma_wait3A_597 : memref<32x1024xf32, #tpu.memory_space<hbm>>)
    %dma_wait3A_598 = arith.constant 1024 : i32
    %dma_wait3A_599 = tpu.memref_slice %arg4[%add3A_559, %dma_wait3A_598] : memref<16384x1152xf32, #tpu.memory_space<hbm>> -> memref<32x128xf32, #tpu.memory_space<hbm>>
    %dma_wait3A_600 = arith.constant 1024 : i32
    %dma_wait3A_601 = tpu.memref_slice %arg4[%add3A_559, %dma_wait3A_600] : memref<16384x1152xf32, #tpu.memory_space<hbm>> -> memref<32x128xf32, #tpu.memory_space<hbm>>
    tpu.wait_dma2 semaphore(%arg16 : memref<!tpu.dma_semaphore, #tpu.memory_space<semaphore_mem>>) src(%arg10 : memref<32x128xf32, #tpu.memory_space<vmem>>) dst(%dma_wait3A_601 : memref<32x128xf32, #tpu.memory_space<hbm>>)
    %dma_wait3A_602 = arith.constant 0 : i32
    %dma_wait3A_603 = tpu.memref_slice %arg4[%add3A_577, %dma_wait3A_602] : memref<16384x1152xf32, #tpu.memory_space<hbm>> -> memref<32x1024xf32, #tpu.memory_space<hbm>>
    %dma_wait3A_604 = arith.constant 0 : i32
    %dma_wait3A_605 = tpu.memref_slice %arg4[%add3A_577, %dma_wait3A_604] : memref<16384x1152xf32, #tpu.memory_space<hbm>> -> memref<32x1024xf32, #tpu.memory_space<hbm>>
    tpu.wait_dma2 semaphore(%arg14 : memref<!tpu.dma_semaphore, #tpu.memory_space<semaphore_mem>>) src(%arg5 : memref<32x1024xf32, #tpu.memory_space<vmem>>) dst(%dma_wait3A_605 : memref<32x1024xf32, #tpu.memory_space<hbm>>)
    %dma_wait3A_606 = arith.constant 1024 : i32
    %dma_wait3A_607 = tpu.memref_slice %arg4[%add3A_577, %dma_wait3A_606] : memref<16384x1152xf32, #tpu.memory_space<hbm>> -> memref<32x128xf32, #tpu.memory_space<hbm>>
    %dma_wait3A_608 = arith.constant 1024 : i32
    %dma_wait3A_609 = tpu.memref_slice %arg4[%add3A_577, %dma_wait3A_608] : memref<16384x1152xf32, #tpu.memory_space<hbm>> -> memref<32x128xf32, #tpu.memory_space<hbm>>
    tpu.wait_dma2 semaphore(%arg14 : memref<!tpu.dma_semaphore, #tpu.memory_space<semaphore_mem>>) src(%arg8 : memref<32x128xf32, #tpu.memory_space<vmem>>) dst(%dma_wait3A_609 : memref<32x128xf32, #tpu.memory_space<hbm>>)
    return
  }
}

</mosaic_0001>

<sc_bundles>
// kernel: kernel.3.cloned.1.call-start
scs
__scs_entry_jumppad:
0x0: {  	(pc) =	sbr.rel $0x88, $3  }
0x1: {  	(tag) =	ssettag $0x0;
	lr =	simm.s32 $0x1  }
0x2: {  	[smem:$0x3F9F] =	sst lr;
	_ =	strace $0xD0000000  }
0x3: {  	_ = 	snop  }
0x4: {  	_ = 	snop  }
0x5: {  	_ = 	snop  }
0x6: {  	_ = 	snop  }
0x7: {  	_ = 	snop  }
__scs_overlays_trampoline_lowered:
0x8: {  	[smem:$0x3FAE] =	sst s0  }
0x9: {  	[smem:$0x3FAF] =	sst s1  }
0xa: {  	[smem:$0x3FB0] =	sst s2  }
0xb: {  	[smem:$0x3FB1] =	sst s3  }
0xc: {  	[smem:$0x3FB2] =	sst s4  }
0xd: {  	[smem:$0x3FB3] =	sst s5  }
0xe: {  	[smem:$0x3FB4] =	sst s6  }
0xf: {  	[smem:$0x3FB5] =	sst s7  }
0x10: {  	[smem:$0x3FB6] =	sst s8  }
0x11: {  	[smem:$0x3FB7] =	sst s9;
	s0 =	simm.s32 @!p0 $0x0  }
0x12: {  	s1 =	sld [smem:$0x3F9D];
	s0 =	simm.s32 @p0 $0x1  }
0x13: {  	[smem:$0x3FB8] =	sst s0;
	s0 =	simm.s32 @!p1 $0x0  }
0x14: {  	s2 =	sld [smem:$0x3F9C];
	s0 =	simm.s32 @p1 $0x1  }
0x15: {  	[smem:$0x3FB9] =	sst s0;
	s0 =	simm.s32 @!p2 $0x0  }
0x16: {  	s3 =	sld [smem:$0x3FDB];
	s0 =	simm.s32 @p2 $0x1  }
0x17: {  	s4 =	simm.s32 $0x1BF5;
	[smem:$0x3FBB] =	sst s0  }
0x18: {  	s0 =	sld [smem:$0x3F9E];
	_ =	swait.ge [sflag:s4], $0x0  }
0x19: {  	s7 =	sld [smem:$0x3F9F]  }
0x1a: {  	s8 =	sadd.s32 $0xFFFFE003, lr  }
0x1b: {  	s9 =	sadd.s32 $0xFFFFFEF7, lr;
	s5 =	simm.s32 $0xFFFFFFFF;
	p2 =	slt.u32 s8, $0xFFFFF086  }
0x1c: {  	p1 =	slt.u32 s9, $0xF7A;
	s5 =	simm.s32 @!p2 $0x0  }
0x1d: {  	s5 =	simm.s32 @p1 $0x1;
	p0 =	seq.s32 s7, s2  }
0x1e: {  	s7 =	smul.u32 @!p0 $0xF7A, s2;
	p2 =	seq.s32 @!p0 s5, $0x0  }
0x1f: {  	s9 =	smul.u32 $0xF7A, s1;
	s8 =	simm.s32 @!p0 $0x1BF5;
	p2 =	por !p2, p0  }
0x20: {  	[sflag:s8] =	ssyncset.s32 @!p0 $0xFFFFF086;
	s6 =	sadd.s32 @!p0 s3, s7;
	s7 =	simm.s32 @!p0 $0x108  }
0x21: {  	s3 =	sadd.s32 s3, s9;
	s6 =	sadd.s32 @!p0 $0x88, s6;
	s7 =	simm.s32 @p2 $0x1082  }
0x22: {  	[simem:s7], [sflag:s8] =	dma.local @!p0 [hbm:s6], $0xF7A  }
0x23: {  	s9 =	sor.u32 $0xD0000000, s2;
	s6 =	simm.s32 $0x108;
	_ =	swait.ge @!p0 [sflag:s8], $0x0  }
0x24: {  	s3 =	sadd.s32 $0x88, s3;
	s6 =	simm.s32 @!p1 $0x1082;
	[sflag:s4] =	ssyncset.s32 $0xFFFFF086  }
0x25: {  	[simem:s6], [sflag:s4] =	dma.local [hbm:s3], $0xF7A  }
0x26: {  	[smem:$0x3F9F] =	sst s1;
	(tag) =	ssettag s2;
	_ =	strace s9  }
0x27: {  	s1 =	sld [smem:$0x3FAF]  }
0x28: {  	s2 =	sld [smem:$0x3FB0]  }
0x29: {  	s4 =	sld [smem:$0x3FB2]  }
0x2a: {  	p0 =	seq.s32 s5, $0x0;
	s5 =	sld [smem:$0x3FB3]  }
0x2b: {  	s6 =	sld [smem:$0x3FB4]  }
0x2c: {  	s7 =	sld [smem:$0x3FB5]  }
0x2d: {  	s3 =	simm.s32 $0x108;
	s8 =	sld [smem:$0x3FB6]  }
0x2e: {  	s3 =	simm.s32 @!p0 $0x1082;
	s9 =	sld [smem:$0x3FB7]  }
0x2f: {  	lr =	sadd.s32 s0, s3;
	s0 =	sld [smem:$0x3FAE]  }
0x30: {  	s3 =	sld [smem:$0x3FB1]  }
0x31: {  	[smem:$0x3FBA] =	sst s10  }
0x32: {  	s10 =	sld [smem:$0x3FB8];
	_ =	sdelay $0x3  }
0x33: {  	p0 =	seq.s32 s10, $0x1;
	s10 =	sld [smem:$0x3FBA];
	_ =	sdelay $0x3  }
0x34: {  	[smem:$0x3FBA] =	sst s10  }
0x35: {  	s10 =	sld [smem:$0x3FB9];
	_ =	sdelay $0x3  }
0x36: {  	p1 =	seq.s32 s10, $0x1;
	s10 =	sld [smem:$0x3FBA];
	_ =	sdelay $0x3  }
0x37: {  	[smem:$0x3FBA] =	sst s10  }
0x38: {  	s10 =	sld [smem:$0x3FBB]  }
0x39: {  	_ = 	snop;
	(pc) =	sbr.ind lr, $3  }
0x3a: {  	_ = 	snop  }
0x3b: {  	_ = 	snop  }
0x3c: {  	p2 =	seq.s32 s10, $0x1;
	s10 =	sld [smem:$0x3FBA]  }
0x3d: {  	_ =	shalt  }
0x3e: {  	_ =	shalt  }
0x3f: {  	_ =	shalt  }
0x40: {  	_ =	shalt  }
0x41: {  	_ =	shalt  }
0x42: {  	_ =	shalt  }
0x43: {  	_ =	shalt  }
0x44: {  	_ =	shalt  }
0x45: {  	_ =	shalt  }
0x46: {  	_ =	shalt  }
0x47: {  	_ =	shalt  }
0x48: {  	_ =	shalt  }
0x49: {  	_ =	shalt  }
0x4a: {  	_ =	shalt  }
0x4b: {  	_ =	shalt  }
0x4c: {  	_ =	shalt  }
0x4d: {  	_ =	shalt  }
0x4e: {  	_ =	shalt  }
0x4f: {  	_ =	shalt  }
0x50: {  	_ =	shalt  }
0x51: {  	_ =	shalt  }
0x52: {  	_ =	shalt  }
0x53: {  	_ =	shalt  }
0x54: {  	_ =	shalt  }
0x55: {  	_ =	shalt  }
0x56: {  	_ =	shalt  }
0x57: {  	_ =	shalt  }
0x58: {  	_ =	shalt  }
0x59: {  	_ =	shalt  }
0x5a: {  	_ =	shalt  }
0x5b: {  	_ =	shalt  }
0x5c: {  	_ =	shalt  }
0x5d: {  	_ =	shalt  }
0x5e: {  	_ =	shalt  }
0x5f: {  	_ =	shalt  }
0x60: {  	_ =	shalt  }
0x61: {  	_ =	shalt  }
0x62: {  	_ =	shalt  }
0x63: {  	_ =	shalt  }
0x64: {  	_ =	shalt  }
0x65: {  	_ =	shalt  }
0x66: {  	_ =	shalt  }
0x67: {  	_ =	shalt  }
0x68: {  	_ =	shalt  }
0x69: {  	_ =	shalt  }
0x6a: {  	_ =	shalt  }
0x6b: {  	_ =	shalt  }
0x6c: {  	_ =	shalt  }
0x6d: {  	_ =	shalt  }
0x6e: {  	_ =	shalt  }
0x6f: {  	_ =	shalt  }
0x70: {  	_ =	shalt  }
0x71: {  	_ =	shalt  }
0x72: {  	_ =	shalt  }
0x73: {  	_ =	shalt  }
0x74: {  	_ =	shalt  }
0x75: {  	_ =	shalt  }
0x76: {  	_ =	shalt  }
0x77: {  	_ =	shalt  }
0x78: {  	_ =	shalt  }
0x79: {  	_ =	shalt  }
0x7a: {  	_ =	shalt  }
0x7b: {  	_ =	shalt  }
0x7c: {  	_ =	shalt  }
0x7d: {  	_ =	shalt  }
0x7e: {  	_ =	shalt  }
0x7f: {  	_ =	shalt  }
0x80: {  	_ =	shalt  }
0x81: {  	_ =	shalt  }
0x82: {  	_ =	shalt  }
0x83: {  	_ =	shalt  }
0x84: {  	_ =	shalt  }
0x85: {  	_ =	shalt  }
0x86: {  	_ =	shalt  }
0x87: {  	_ =	shalt  }
.Lfunc_end0:
.L_simem_size_0:
called_computation_lowered:
.L_overlay_start_0:
0x88: {  	s2 =	sld [smem:$0x3FD9]  }
0x89: {  	s3 =	sld [smem:$0x3FFE];
	_ =	sdelay $0x1  }
0x8a: {  	s1 =	srdreg.scid  }
0x8b: {  	s0 =	sand.u32 $0x1, s1  }
0x8c: {  	s18 =	sshll.u32 s0, $0xA;
	s2 =	sadd.s32 s3, s2  }
0x8d: {  	s2 =	sadd.s32 s2, s18  }
0x8e: {  	[smem:$0x3FC6] =	sst s2  }
0x8f: {  	_ = 	snop  }
0x90: {  	s2 =	sld [smem:$0x3FC9]  }
0x91: {  	s19 =	sld [smem:$0x3FC8]  }
0x92: {  	s4 =	sld [smem:$0x3FD0];
	(tm) =	ssettm $0x1  }
0x93: {  	s5 =	sld [smem:$0x3FFB];
	_ =	sdelay $0x3  }
0x94: {  	_ =	strace s5  }
0x95: {  	s5 =	sld [smem:$0x3FFC];
	_ =	sdelay $0x3  }
0x96: {  	_ =	strace s5  }
0x97: {  	s5 =	sld [smem:$0x3FFD];
	_ =	sdelay $0x3  }
0x98: {  	_ =	strace s5  }
0x99: {  	_ =	strace $0x8FFFFFFF  }
0x9a: {  	s20 =	sld [smem:$0x3FDB];
	_ =	sdelay $0x1  }
0x9b: {  	s6 =	simm.s32 $_scs_section_size  }
0x9c: {  	s7 =	simm.s32 $_size__tile_overlayer_lowered;
	s8 =	simm.s32 $_tile_overlayer_lowered  }
0x9d: {  	s23 =	simm.s32 $0x1BFF;
	s22 =	sshll.u32 s8, $0x1;
	s5 =	sadd.s32 s6, s20  }
0x9e: {  	s9 =	simm.s32 $0x0;
	s21 =	sshll.u32 s7, $0x1;
	s7 =	sadd.s32 s22, s5  }
0x9f: {  	[timem:s9], [sflag:s23] =	dma.local [hbm:s7], s21  }
0xa0: {  	_ =	swait.ge [sflag:s23], s21  }
0xa1: {  	s6 =	ssub.s32 $0x0, s21;
	[sflag:s23] =	ssyncset.done $0x0  }
0xa2: {  	[sflag:s23] =	ssyncadd.s32 s6;
	_ =	sdelay $0x1  }
0xa3: {  	s24 =	simm.s32 $0x1B8B  }
0xa4: {  	_ =	swait.ge [sflag:s24], $0x1  }
0xa5: {  	[sflag:s24] =	ssyncset.done $0x0  }
0xa6: {  	s25 =	simm.s32 $0x1B8E;
	[sflag:s24] =	ssyncadd.s32 $0xFFFFFFFF  }
0xa7: {  	s26 =	simm.s32 $execute0_lowered;
	[smem:$0x3FD2] =	sst s25  }
0xa8: {  	s6 =	sshll.u32 s26, $0x1;
	_ =	strace $0x80000046;
	[dreg:$0x1] =	wrdreg $0xFFFFFFFF  }
0xa9: {  	s28 =	simm.s32 $_size_execute0_lowered;
	s5 =	sadd.s32 s5, s6;
	[dreg:$0x0] =	wrdreg $0x0  }
0xaa: {  	s6 =	sshll.u32 s28, $0x1;
	[dreg:$0x2] =	wrdreg s5  }
0xab: {  	[dreg:$0x3] =	wrdreg s6  }
0xac: {  	[dreg:$0x4] =	wrdreg $0xC0  }
0xad: {  	_ =	task [dreg:s9], $0x5FFFF  }
0xae: {  	[dreg:$0x1] =	wrdreg $0xFFFFFFFF  }
0xaf: {  	[dreg:$0x0] =	wrdreg $0x60  }
0xb0: {  	[dreg:$0x2] =	wrdreg s2  }
0xb1: {  	[dreg:$0x3] =	wrdreg s19  }
0xb2: {  	[dreg:$0x4] =	wrdreg s4  }
0xb3: {  	[dreg:$0x5] =	wrdreg $0x9  }
0xb4: {  	_ =	task.clear_ibuf [dreg:s9], $0x6FFFF;
	_ =	strace $0x90000046  }
0xb5: {  	s29 =	simm.s32 $0x9;
	_ =	strace $0x80000048  }
0xb6: {  	_ =	swait.ge [sflag:s29], $0x1  }
0xb7: {  	[sflag:s29] =	ssyncadd.s32 $0xFFFFFFFF  }
0xb8: {  	_ =	strace $0x90000048  }
0xb9: {  	_ =	sfence  }
0xba: {  	s30 =	sld [smem:$0x0];
	_ =	sdelay $0x2  }
0xbb: {  	s31 =	sshll.u32 s1, $0xD;
	s1 =	sshrl.u32 s1, $0x2  }
0xbc: {  	s3 =	sand.u32 $0x4000, s31;
	s1 =	sadd.s32 s1, s30  }
0xbd: {  	s0 =	sor.u32 s3, s0;
	s1 =	sshll.u32 s1, $0x11  }
0xbe: {  	s0 =	sor.u32 s1, s0  }
0xbf: {  	s0 =	sadd.s32 $0x8F2B, s0  }
0xc0: {  	[sflag:s0] =	ssyncadd.remote.s32 $0x1  }
0xc1: {  	_ =	sfence.sel $0xFFFF  }
0xc2: {  	[dreg:$0x0] =	wrdreg $0xFFFFFFFF;
	(pc) =	sbr.abs _section_cstart, $3  }
0xc3: {  	[dreg:$0x1] =	wrdreg $0xFFFFFFFF  }
0xc4: {  	_ =	task.clear_ibuf [dreg:s9], $0x2FFFF;
	_ =	strace $0x9FFFFFFF  }
0xc5: {  	(tm) =	ssettm $0x7FFFFFFF  }
tec
execute0_lowered:
.L_overlay_start_1:
0x0: {  	(tag) =	ssettag $0x1  }
0x1: {  	s3 =	rddreg [dreg:$0x0]  }
0x2: {  	s1 =	rddreg [dreg:$0x1]  }
0x3: {  	s0 =	rddreg [dreg:$0x2];
	s2 =	srdreg.scid  }
0x4: {  	s4 =	stileid.u32;
	p0 =	por $0x0, $0x0;
	s5 =	sand.u32 $0x1, s2  }
0x5: {  	s2 =	simm.s32 $0x0;
	s4 =	sshll.u32 s4, $0xA;
	s6 =	sshll.u32 s5, $0x9  }
0x6: {  	[smem:$0x7FF] =	sst s2;
	s5 =	ssub.s32 $0x2, s5;
	s6 =	sor.u32 s6, s4  }
0x7: {  	_ =	strace $0x80000047;
	s4 =	sshrl.u32 s6, $0x3;
	s7 =	sshll.u32 s6, $0x7  }
0x8: {  	s6 =	sshll.u32 s6, $0x4;
	s8 =	sor.u32 $0x4, s4;
	s7 =	sadd.s32 s3, s7  }
0x9: {  	s6 =	sand.u32 $0xE000, s6;
	s24 =	smul.u32 $0x480, s4;
	s26 =	sor.u32 $0x8, s4  }
0xa: {  	s16 =	sor.u32 $0xC, s4;
	s9 =	sshll.u32 s8, $0xA;
	[dreg:$0x4] =	wrdreg s7  }
0xb: {  	s20 =	sadd.s32 s1, s6;
	s6 =	sadd.s32 $0x400, s0;
	s22 =	sadd.s32 s3, s9  }
0xc: {  	s11 =	sshll.u32 s26, $0xA;
	s23 =	sadd.s32 $0x200, s20;
	[dreg:$0x5] =	wrdreg s22  }
0xd: {  	s13 =	smul.u32 $0x480, s8;
	s25 =	sadd.s32 s0, s24;
	[dreg:$0x6] =	wrdreg s23  }
0xe: {  	s17 =	sshll.u32 s16, $0xA;
	s10 =	sadd.s32 s24, s6;
	[dreg:$0x7] =	wrdreg s25  }
0xf: {  	s1 =	smul.u32 $0x2400, s16;
	s12 =	sadd.s32 s3, s11;
	[dreg:$0x8] =	wrdreg s10  }
0x10: {  	s14 =	sadd.s32 $0x400, s20;
	s9 =	smul.u32 $0x2400, s26;
	[dreg:$0x9] =	wrdreg s12  }
0x11: {  	s18 =	sadd.s32 s3, s17;
	s19 =	sadd.s32 $0x600, s20;
	[dreg:$0xa] =	wrdreg s14  }
0x12: {  	s26 =	sor.u32 $0x14, s4;
	s15 =	sadd.s32 s0, s13;
	[dreg:$0xd] =	wrdreg s18  }
0x13: {  	s7 =	sadd.s32 s13, s6;
	[dreg:$0xe] =	wrdreg s19;
	s22 =	sor.u32 $0x10, s4  }
0x14: {  	s1 =	sshrl.u32 s1, $0x3;
	s25 =	sadd.s32 $0x800, s20;
	s11 =	sshll.u32 s26, $0xA  }
0x15: {  	s13 =	sadd.s32 $0xA00, s20;
	s18 =	sadd.s32 $0xC00, s20;
	[dreg:$0xb] =	wrdreg s15  }
0x16: {  	[dreg:$0xc] =	wrdreg s7;
	s21 =	sshrl.u32 s9, $0x3;
	s23 =	sshll.u32 s22, $0xA  }
0x17: {  	s30 =	sadd.s32 s0, s1;
	[dreg:$0x11] =	wrdreg s25;
	s12 =	sadd.s32 s3, s11  }
0x18: {  	s7 =	smul.u32 $0x480, s22;
	[dreg:$0x14] =	wrdreg s13;
	s15 =	sor.u32 $0x18, s4  }
0x19: {  	s1 =	smul.u32 $0x480, s26;
	[dreg:$0x18] =	wrdreg s18;
	s26 =	sor.u32 $0x20, s4  }
0x1a: {  	s13 =	sor.u32 $0x24, s4;
	s24 =	sadd.s32 s3, s23;
	[dreg:$0x13] =	wrdreg s12  }
0x1b: {  	s31 =	sadd.s32 s0, s21;
	s10 =	sadd.s32 $0x400, s30;
	[dreg:$0x10] =	wrdreg s24  }
0x1c: {  	s16 =	sshll.u32 s15, $0xA;
	s12 =	sadd.s32 $0x1000, s20;
	[dreg:$0x12] =	wrdreg s10  }
0x1d: {  	s21 =	sor.u32 $0x1C, s4;
	s8 =	sadd.s32 $0x400, s31;
	[dreg:$0x1f] =	wrdreg s12  }
0x1e: {  	s9 =	smul.u32 $0x2400, s15;
	s14 =	sadd.s32 s0, s7;
	[dreg:$0xf] =	wrdreg s8  }
0x1f: {  	s15 =	sshll.u32 s13, $0xA;
	s7 =	sadd.s32 s7, s6;
	[dreg:$0x15] =	wrdreg s14  }
0x20: {  	s17 =	sadd.s32 s3, s16;
	s19 =	sadd.s32 s0, s1;
	[dreg:$0x16] =	wrdreg s7  }
0x21: {  	s1 =	sadd.s32 s1, s6;
	s22 =	sshll.u32 s21, $0xA;
	[dreg:$0x17] =	wrdreg s17  }
0x22: {  	s24 =	sadd.s32 $0xE00, s20;
	s10 =	sshll.u32 s26, $0xA;
	[dreg:$0x19] =	wrdreg s19  }
0x23: {  	s16 =	sadd.s32 s3, s15;
	[dreg:$0x1a] =	wrdreg s1;
	s23 =	sadd.s32 s3, s22  }
0x24: {  	s25 =	sshrl.u32 s9, $0x3;
	[dreg:$0x1c] =	wrdreg s24;
	s7 =	smul.u32 $0x2400, s21  }
0x25: {  	s11 =	sadd.s32 s3, s10;
	s1 =	smul.u32 $0x480, s26;
	[smem:$0x7E9] =	sst s16  }
0x26: {  	s17 =	sadd.s32 $0x1200, s20;
	s19 =	sor.u32 $0x28, s4;
	[dreg:$0x1b] =	wrdreg s23  }
0x27: {  	s16 =	sadd.s32 $0x1800, s20;
	s29 =	sadd.s32 s0, s25;
	[dreg:$0x1e] =	wrdreg s11  }
0x28: {  	[smem:$0x7EA] =	sst s17;
	s21 =	sshll.u32 s19, $0xA;
	s23 =	sadd.s32 $0x1400, s20  }
0x29: {  	s25 =	sor.u32 $0x2C, s4;
	s9 =	smul.u32 $0x2400, s19;
	[smem:$0x7F5] =	sst s16  }
0x2a: {  	s11 =	sadd.s32 $0x1600, s20;
	s17 =	sor.u32 $0x34, s4;
	[smem:$0x7EE] =	sst s23  }
0x2b: {  	s8 =	sadd.s32 $0x400, s29;
	s7 =	sshrl.u32 s7, $0x3;
	[smem:$0x7F2] =	sst s11  }
0x2c: {  	s18 =	sadd.s32 s0, s1;
	s1 =	sadd.s32 s1, s6;
	[dreg:$0x1d] =	wrdreg s8  }
0x2d: {  	s22 =	sadd.s32 s3, s21;
	s26 =	sshll.u32 s25, $0xA;
	[smem:$0x7EB] =	sst s18  }
0x2e: {  	s19 =	sshll.u32 s17, $0xA;
	s28 =	sadd.s32 s0, s7;
	[smem:$0x7EC] =	sst s1  }
0x2f: {  	s7 =	smul.u32 $0x480, s13;
	[smem:$0x7ED] =	sst s22;
	s10 =	sadd.s32 s3, s26  }
0x30: {  	s12 =	sshrl.u32 s9, $0x3;
	s13 =	sor.u32 $0x30, s4;
	s1 =	smul.u32 $0x2400, s25  }
0x31: {  	s21 =	sadd.s32 s3, s19;
	s22 =	sadd.s32 $0x1A00, s20;
	[smem:$0x7F1] =	sst s10  }
0x32: {  	s25 =	sor.u32 $0x38, s4;
	s4 =	sor.u32 $0x3C, s4;
	[smem:$0x7F7] =	sst s21  }
0x33: {  	s14 =	sadd.s32 $0x400, s28;
	s26 =	sadd.s32 s0, s12;
	[smem:$0x7F8] =	sst s22  }
0x34: {  	s11 =	sshll.u32 s25, $0xA;
	s10 =	sshrl.u32 s5, $0x1;
	s16 =	smul.u32 $0x2400, s25  }
0x35: {  	s19 =	smul.u32 $0x2400, s4;
	s21 =	sshll.u32 s4, $0xA;
	[smem:$0x7E8] =	sst s14  }
0x36: {  	s24 =	sadd.s32 s0, s7;
	s7 =	sadd.s32 s7, s6;
	s8 =	sadd.s32 $0x400, s26  }
0x37: {  	s14 =	sshll.u32 s13, $0xA;
	s1 =	sshrl.u32 s1, $0x3;
	[smem:$0x7EF] =	sst s24  }
0x38: {  	s12 =	sadd.s32 s3, s11;
	s11 =	simm.s32 $0x2000;
	[smem:$0x7F0] =	sst s7  }
0x39: {  	[smem:$0x7F3] =	sst s8;
	s15 =	sadd.s32 s3, s14;
	s24 =	sadd.s32 s0, s1  }
0x3a: {  	s7 =	smul.u32 $0x480, s13;
	s13 =	ssub.s32 s5, s10;
	[smem:$0x7FB] =	sst s12  }
0x3b: {  	s1 =	smul.u32 $0x480, s17;
	s14 =	sadd.s32 s3, s21;
	s22 =	sshrl.u32 s16, $0x3  }
0x3c: {  	s16 =	sadd.s32 $0x1E00, s20;
	s10 =	simm.s32 $0x1;
	s12 =	simm.s32 $0x2400  }
0x3d: {  	s3 =	simm.s32 $0x4;
	s21 =	simm.s32 $0x3;
	s8 =	simm.s32 $0x6  }
0x3e: {  	[smem:$0x7F4] =	sst s15;
	s18 =	sadd.s32 $0x400, s24;
	s15 =	sadd.s32 $0x1C00, s20  }
0x3f: {  	s25 =	smax.u32 s13, $0x1;
	s13 =	simm.s32 $0x400;
	[smem:$0x7F6] =	sst s18  }
0x40: {  	s23 =	sadd.s32 s0, s7;
	s7 =	sadd.s32 s7, s6;
	[smem:$0x7FC] =	sst s15  }
0x41: {  	s18 =	sadd.s32 s0, s1;
	s17 =	sadd.s32 s1, s6;
	s1 =	rddreg [dreg:$0x4]  }
0x42: {  	s6 =	simm.s32 $0x18000;
	p1 =	sne.s32 s25, $0x1;
	[smem:$0x7F9] =	sst s23  }
.Ltmp0:
0x43: {  	s15 =	simm.s32 $0x5;
	[smem:$0x7FA] =	sst s7;
	(pc) =	sbr.rel @!p1 .LBB2_5-.Ltmp0, $4  }
0x44: {  	[smem:$0x7FD] =	sst s18;
	s23 =	sshrl.u32 s19, $0x3;
	s7 =	sadd.s32 s0, s22  }
0x45: {  	s22 =	simm.s32 $0x8000;
	s18 =	simm.s32 $0x10000;
	s19 =	simm.s32 $0x1A000  }
0x46: {  	s4 =	sadd.s32 s0, s23;
	s9 =	sadd.s32 $0x400, s7;
	s23 =	simm.s32 $0x19000  }
0x47: {  	s0 =	sadd.s32 $0xFFFFFFFF, s25;
	s25 =	simm.s32 $0x2;
	s5 =	sadd.s32 $0x400, s4  }
0x48: {  	[tilespmem:s2], [sflag:$0x1] =	stream.linear.gather [hbm4b:s1+s2], $0x8000, $0x38;
	[tilespmem:$0x1B000] =	vst v63  }
0x49: {  	s1 =	rddreg [dreg:$0x5]  }
0x4a: {  	[tilespmem:s6], [sflag:$0x1] =	stream.linear.gather [hbm4b:s20+s2], $0x1000, $0x38;
	[tilespmem:$0x1B000] =	vst v63  }
0x4b: {  	[smem:$0x7E6] =	sst s0  }
0x4c: {  	[tilespmem:s22], [sflag:$0x2] =	stream.linear.gather [hbm4b:s1+s2], $0x8000, $0x38;
	[tilespmem:$0x1B000] =	vst v63  }
0x4d: {  	s0 =	rddreg [dreg:$0x6]  }
0x4e: {  	[tilespmem:s23], [sflag:$0x2] =	stream.linear.gather [hbm4b:s0+s2], $0x1000, $0x38;
	[tilespmem:$0x1B000] =	vst v63  }
0x4f: {  	_ =	swait.ge [sflag:s10], $0x8000  }
0x50: {  	[sflag:s10] =	ssyncset.done $0x0  }
0x51: {  	[sflag:s10] =	ssyncadd.s32 $0xFFFF8000  }
0x52: {  	_ =	swait.ge [sflag:s10], $0x1000  }
0x53: {  	[sflag:s10] =	ssyncset.done $0x0  }
0x54: {  	s0 =	rddreg [dreg:$0x7];
	[sflag:s10] =	ssyncadd.s32 $0xFFFFF000  }
0x55: {  	[hbm4b:s0+s11] =	stream.strided.scatter [tilespmem:s2], [sflag:$0x4], $0x8000, s12, s11, $0x38;
	[tilespmem:$0x1B000] =	vst v63  }
0x56: {  	s1 =	rddreg [dreg:$0x8]  }
0x57: {  	[hbm4b:s1+s13] =	stream.strided.scatter [tilespmem:s6], [sflag:$0x4], $0x1000, s12, s13, $0x38;
	[tilespmem:$0x1B000] =	vst v63  }
0x58: {  	s0 =	rddreg [dreg:$0x9]  }
0x59: {  	[tilespmem:s18], [sflag:$0x3] =	stream.linear.gather [hbm4b:s0+s2], $0x8000, $0x38;
	[tilespmem:$0x1B000] =	vst v63  }
0x5a: {  	s1 =	rddreg [dreg:$0xa]  }
0x5b: {  	[tilespmem:s19], [sflag:$0x3] =	stream.linear.gather [hbm4b:s1+s2], $0x1000, $0x38;
	[tilespmem:$0x1B000] =	vst v63  }
0x5c: {  	_ =	swait.ge [sflag:s25], $0x8000  }
0x5d: {  	[sflag:s25] =	ssyncset.done $0x0  }
0x5e: {  	[sflag:s25] =	ssyncadd.s32 $0xFFFF8000  }
0x5f: {  	_ =	swait.ge [sflag:s25], $0x1000  }
0x60: {  	[sflag:s25] =	ssyncset.done $0x0  }
0x61: {  	s0 =	rddreg [dreg:$0xb];
	[sflag:s25] =	ssyncadd.s32 $0xFFFFF000  }
0x62: {  	[hbm4b:s0+s11] =	stream.strided.scatter [tilespmem:s22], [sflag:$0x5], $0x8000, s12, s11, $0x38;
	[tilespmem:$0x1B000] =	vst v63  }
0x63: {  	s1 =	rddreg [dreg:$0xc]  }
0x64: {  	[hbm4b:s1+s13] =	stream.strided.scatter [tilespmem:s23], [sflag:$0x5], $0x1000, s12, s13, $0x38;
	[tilespmem:$0x1B000] =	vst v63  }
0x65: {  	_ =	swait.ge [sflag:s3], $0x8000  }
0x66: {  	[sflag:s3] =	ssyncset.done $0x0  }
0x67: {  	[sflag:s3] =	ssyncadd.s32 $0xFFFF8000  }
0x68: {  	_ =	swait.ge [sflag:s3], $0x1000  }
0x69: {  	[sflag:s3] =	ssyncset.done $0x0  }
0x6a: {  	s0 =	rddreg [dreg:$0xd];
	[sflag:s3] =	ssyncadd.s32 $0xFFFFF000  }
0x6b: {  	[tilespmem:s2], [sflag:$0x1] =	stream.linear.gather [hbm4b:s0+s2], $0x8000, $0x38;
	[tilespmem:$0x1B000] =	vst v63  }
0x6c: {  	s1 =	rddreg [dreg:$0xe]  }
0x6d: {  	[tilespmem:s6], [sflag:$0x1] =	stream.linear.gather [hbm4b:s1+s2], $0x1000, $0x38;
	[tilespmem:$0x1B000] =	vst v63  }
0x6e: {  	_ =	swait.ge [sflag:s21], $0x8000  }
0x6f: {  	[sflag:s21] =	ssyncset.done $0x0  }
0x70: {  	[sflag:s21] =	ssyncadd.s32 $0xFFFF8000  }
0x71: {  	_ =	swait.ge [sflag:s21], $0x1000  }
0x72: {  	[sflag:s21] =	ssyncset.done $0x0  }
0x73: {  	[sflag:s21] =	ssyncadd.s32 $0xFFFFF000  }
0x74: {  	[hbm4b:s31+s11] =	stream.strided.scatter [tilespmem:s18], [sflag:$0x6], $0x8000, s12, s11, $0x38;
	[tilespmem:$0x1B000] =	vst v63  }
0x75: {  	s1 =	rddreg [dreg:$0xf]  }
0x76: {  	[hbm4b:s1+s13] =	stream.strided.scatter [tilespmem:s19], [sflag:$0x6], $0x1000, s12, s13, $0x38;
	[tilespmem:$0x1B000] =	vst v63  }
0x77: {  	_ =	swait.ge [sflag:s15], $0x8000  }
0x78: {  	[sflag:s15] =	ssyncset.done $0x0  }
0x79: {  	[sflag:s15] =	ssyncadd.s32 $0xFFFF8000  }
0x7a: {  	_ =	swait.ge [sflag:s15], $0x1000  }
0x7b: {  	[sflag:s15] =	ssyncset.done $0x0  }
0x7c: {  	s0 =	rddreg [dreg:$0x10];
	[sflag:s15] =	ssyncadd.s32 $0xFFFFF000  }
0x7d: {  	[tilespmem:s22], [sflag:$0x2] =	stream.linear.gather [hbm4b:s0+s2], $0x8000, $0x38;
	[tilespmem:$0x1B000] =	vst v63  }
0x7e: {  	s1 =	rddreg [dreg:$0x11]  }
0x7f: {  	[tilespmem:s23], [sflag:$0x2] =	stream.linear.gather [hbm4b:s1+s2], $0x1000, $0x38;
	[tilespmem:$0x1B000] =	vst v63  }
0x80: {  	_ =	swait.ge [sflag:s10], $0x8000  }
0x81: {  	[sflag:s10] =	ssyncset.done $0x0  }
0x82: {  	[sflag:s10] =	ssyncadd.s32 $0xFFFF8000  }
0x83: {  	_ =	swait.ge [sflag:s10], $0x1000  }
0x84: {  	[sflag:s10] =	ssyncset.done $0x0  }
0x85: {  	[sflag:s10] =	ssyncadd.s32 $0xFFFFF000  }
0x86: {  	[hbm4b:s30+s11] =	stream.strided.scatter [tilespmem:s2], [sflag:$0x4], $0x8000, s12, s11, $0x38;
	[tilespmem:$0x1B000] =	vst v63  }
0x87: {  	s1 =	rddreg [dreg:$0x12]  }
0x88: {  	[hbm4b:s1+s13] =	stream.strided.scatter [tilespmem:s6], [sflag:$0x4], $0x1000, s12, s13, $0x38;
	[tilespmem:$0x1B000] =	vst v63  }
0x89: {  	_ =	swait.ge [sflag:s8], $0x8000  }
0x8a: {  	[sflag:s8] =	ssyncset.done $0x0  }
0x8b: {  	[sflag:s8] =	ssyncadd.s32 $0xFFFF8000  }
0x8c: {  	_ =	swait.ge [sflag:s8], $0x1000  }
0x8d: {  	[sflag:s8] =	ssyncset.done $0x0  }
0x8e: {  	s0 =	rddreg [dreg:$0x13];
	[sflag:s8] =	ssyncadd.s32 $0xFFFFF000  }
0x8f: {  	[tilespmem:s18], [sflag:$0x3] =	stream.linear.gather [hbm4b:s0+s2], $0x8000, $0x38;
	[tilespmem:$0x1B000] =	vst v63  }
0x90: {  	s1 =	rddreg [dreg:$0x14]  }
0x91: {  	[tilespmem:s19], [sflag:$0x3] =	stream.linear.gather [hbm4b:s1+s2], $0x1000, $0x38;
	[tilespmem:$0x1B000] =	vst v63  }
0x92: {  	_ =	swait.ge [sflag:s25], $0x8000  }
0x93: {  	[sflag:s25] =	ssyncset.done $0x0  }
0x94: {  	[sflag:s25] =	ssyncadd.s32 $0xFFFF8000  }
0x95: {  	_ =	swait.ge [sflag:s25], $0x1000  }
0x96: {  	[sflag:s25] =	ssyncset.done $0x0  }
0x97: {  	s0 =	rddreg [dreg:$0x15];
	[sflag:s25] =	ssyncadd.s32 $0xFFFFF000  }
0x98: {  	[hbm4b:s0+s11] =	stream.strided.scatter [tilespmem:s22], [sflag:$0x5], $0x8000, s12, s11, $0x38;
	[tilespmem:$0x1B000] =	vst v63  }
0x99: {  	s1 =	rddreg [dreg:$0x16]  }
0x9a: {  	[hbm4b:s1+s13] =	stream.strided.scatter [tilespmem:s23], [sflag:$0x5], $0x1000, s12, s13, $0x38;
	[tilespmem:$0x1B000] =	vst v63  }
0x9b: {  	_ =	swait.ge [sflag:s3], $0x8000  }
0x9c: {  	[sflag:s3] =	ssyncset.done $0x0  }
0x9d: {  	[sflag:s3] =	ssyncadd.s32 $0xFFFF8000  }
0x9e: {  	_ =	swait.ge [sflag:s3], $0x1000  }
0x9f: {  	[sflag:s3] =	ssyncset.done $0x0  }
0xa0: {  	s0 =	rddreg [dreg:$0x17];
	[sflag:s3] =	ssyncadd.s32 $0xFFFFF000  }
0xa1: {  	[tilespmem:s2], [sflag:$0x1] =	stream.linear.gather [hbm4b:s0+s2], $0x8000, $0x38;
	[tilespmem:$0x1B000] =	vst v63  }
0xa2: {  	s1 =	rddreg [dreg:$0x18]  }
0xa3: {  	[tilespmem:s6], [sflag:$0x1] =	stream.linear.gather [hbm4b:s1+s2], $0x1000, $0x38;
	[tilespmem:$0x1B000] =	vst v63  }
0xa4: {  	_ =	swait.ge [sflag:s21], $0x8000  }
0xa5: {  	[sflag:s21] =	ssyncset.done $0x0  }
0xa6: {  	[sflag:s21] =	ssyncadd.s32 $0xFFFF8000  }
0xa7: {  	_ =	swait.ge [sflag:s21], $0x1000  }
0xa8: {  	[sflag:s21] =	ssyncset.done $0x0  }
0xa9: {  	s0 =	rddreg [dreg:$0x19];
	[sflag:s21] =	ssyncadd.s32 $0xFFFFF000  }
0xaa: {  	[hbm4b:s0+s11] =	stream.strided.scatter [tilespmem:s18], [sflag:$0x6], $0x8000, s12, s11, $0x38;
	[tilespmem:$0x1B000] =	vst v63  }
0xab: {  	s1 =	rddreg [dreg:$0x1a]  }
0xac: {  	[hbm4b:s1+s13] =	stream.strided.scatter [tilespmem:s19], [sflag:$0x6], $0x1000, s12, s13, $0x38;
	[tilespmem:$0x1B000] =	vst v63  }
0xad: {  	_ =	swait.ge [sflag:s15], $0x8000  }
0xae: {  	[sflag:s15] =	ssyncset.done $0x0  }
0xaf: {  	[sflag:s15] =	ssyncadd.s32 $0xFFFF8000  }
0xb0: {  	_ =	swait.ge [sflag:s15], $0x1000  }
0xb1: {  	[sflag:s15] =	ssyncset.done $0x0  }
0xb2: {  	s0 =	rddreg [dreg:$0x1b];
	[sflag:s15] =	ssyncadd.s32 $0xFFFFF000  }
0xb3: {  	[tilespmem:s22], [sflag:$0x2] =	stream.linear.gather [hbm4b:s0+s2], $0x8000, $0x38;
	[tilespmem:$0x1B000] =	vst v63  }
0xb4: {  	s1 =	rddreg [dreg:$0x1c]  }
0xb5: {  	[tilespmem:s23], [sflag:$0x2] =	stream.linear.gather [hbm4b:s1+s2], $0x1000, $0x38;
	[tilespmem:$0x1B000] =	vst v63  }
0xb6: {  	_ =	swait.ge [sflag:s10], $0x8000  }
0xb7: {  	[sflag:s10] =	ssyncset.done $0x0  }
0xb8: {  	[sflag:s10] =	ssyncadd.s32 $0xFFFF8000  }
0xb9: {  	_ =	swait.ge [sflag:s10], $0x1000  }
0xba: {  	[sflag:s10] =	ssyncset.done $0x0  }
0xbb: {  	[sflag:s10] =	ssyncadd.s32 $0xFFFFF000  }
0xbc: {  	[hbm4b:s29+s11] =	stream.strided.scatter [tilespmem:s2], [sflag:$0x4], $0x8000, s12, s11, $0x38;
	[tilespmem:$0x1B000] =	vst v63  }
0xbd: {  	s1 =	rddreg [dreg:$0x1d]  }
0xbe: {  	[hbm4b:s1+s13] =	stream.strided.scatter [tilespmem:s6], [sflag:$0x4], $0x1000, s12, s13, $0x38;
	[tilespmem:$0x1B000] =	vst v63  }
0xbf: {  	_ =	swait.ge [sflag:s8], $0x8000  }
0xc0: {  	[sflag:s8] =	ssyncset.done $0x0  }
0xc1: {  	[sflag:s8] =	ssyncadd.s32 $0xFFFF8000  }
0xc2: {  	_ =	swait.ge [sflag:s8], $0x1000  }
0xc3: {  	[sflag:s8] =	ssyncset.done $0x0  }
0xc4: {  	s0 =	rddreg [dreg:$0x1e];
	[sflag:s8] =	ssyncadd.s32 $0xFFFFF000  }
0xc5: {  	[tilespmem:s18], [sflag:$0x3] =	stream.linear.gather [hbm4b:s0+s2], $0x8000, $0x38;
	[tilespmem:$0x1B000] =	vst v63  }
0xc6: {  	s1 =	rddreg [dreg:$0x1f]  }
0xc7: {  	[tilespmem:s19], [sflag:$0x3] =	stream.linear.gather [hbm4b:s1+s2], $0x1000, $0x38;
	[tilespmem:$0x1B000] =	vst v63  }
0xc8: {  	_ =	swait.ge [sflag:s25], $0x8000  }
0xc9: {  	[sflag:s25] =	ssyncset.done $0x0  }
0xca: {  	[sflag:s25] =	ssyncadd.s32 $0xFFFF8000  }
0xcb: {  	_ =	swait.ge [sflag:s25], $0x1000  }
0xcc: {  	[sflag:s25] =	ssyncset.done $0x0  }
0xcd: {  	s1 =	sld [smem:$0x7E8];
	[sflag:s25] =	ssyncadd.s32 $0xFFFFF000  }
0xce: {  	[hbm4b:s28+s11] =	stream.strided.scatter [tilespmem:s22], [sflag:$0x5], $0x8000, s12, s11, $0x38;
	[tilespmem:$0x1B000] =	vst v63  }
0xcf: {  	_ = 	snop  }
0xd0: {  	[hbm4b:s1+s13] =	stream.strided.scatter [tilespmem:s23], [sflag:$0x5], $0x1000, s12, s13, $0x38;
	[tilespmem:$0x1B000] =	vst v63  }
0xd1: {  	_ =	swait.ge [sflag:s3], $0x8000  }
0xd2: {  	[sflag:s3] =	ssyncset.done $0x0  }
0xd3: {  	[sflag:s3] =	ssyncadd.s32 $0xFFFF8000  }
0xd4: {  	_ =	swait.ge [sflag:s3], $0x1000  }
0xd5: {  	s0 =	sld [smem:$0x7E9]  }
0xd6: {  	[sflag:s3] =	ssyncset.done $0x0  }
0xd7: {  	s1 =	sld [smem:$0x7EA];
	[sflag:s3] =	ssyncadd.s32 $0xFFFFF000  }
0xd8: {  	[tilespmem:s2], [sflag:$0x1] =	stream.linear.gather [hbm4b:s0+s2], $0x8000, $0x38;
	[tilespmem:$0x1B000] =	vst v63  }
0xd9: {  	_ = 	snop  }
0xda: {  	[tilespmem:s6], [sflag:$0x1] =	stream.linear.gather [hbm4b:s1+s2], $0x1000, $0x38;
	[tilespmem:$0x1B000] =	vst v63  }
0xdb: {  	_ =	swait.ge [sflag:s21], $0x8000  }
0xdc: {  	[sflag:s21] =	ssyncset.done $0x0  }
0xdd: {  	[sflag:s21] =	ssyncadd.s32 $0xFFFF8000  }
0xde: {  	_ =	swait.ge [sflag:s21], $0x1000  }
0xdf: {  	s0 =	sld [smem:$0x7EB]  }
0xe0: {  	[sflag:s21] =	ssyncset.done $0x0  }
0xe1: {  	s1 =	sld [smem:$0x7EC];
	[sflag:s21] =	ssyncadd.s32 $0xFFFFF000  }
0xe2: {  	[hbm4b:s0+s11] =	stream.strided.scatter [tilespmem:s18], [sflag:$0x6], $0x8000, s12, s11, $0x38;
	[tilespmem:$0x1B000] =	vst v63  }
0xe3: {  	_ = 	snop  }
0xe4: {  	[hbm4b:s1+s13] =	stream.strided.scatter [tilespmem:s19], [sflag:$0x6], $0x1000, s12, s13, $0x38;
	[tilespmem:$0x1B000] =	vst v63  }
0xe5: {  	_ =	swait.ge [sflag:s15], $0x8000  }
0xe6: {  	[sflag:s15] =	ssyncset.done $0x0  }
0xe7: {  	[sflag:s15] =	ssyncadd.s32 $0xFFFF8000  }
0xe8: {  	_ =	swait.ge [sflag:s15], $0x1000  }
0xe9: {  	s0 =	sld [smem:$0x7ED]  }
0xea: {  	[sflag:s15] =	ssyncset.done $0x0  }
0xeb: {  	s1 =	sld [smem:$0x7EE];
	[sflag:s15] =	ssyncadd.s32 $0xFFFFF000  }
0xec: {  	[tilespmem:s22], [sflag:$0x2] =	stream.linear.gather [hbm4b:s0+s2], $0x8000, $0x38;
	[tilespmem:$0x1B000] =	vst v63  }
0xed: {  	_ = 	snop  }
0xee: {  	[tilespmem:s23], [sflag:$0x2] =	stream.linear.gather [hbm4b:s1+s2], $0x1000, $0x38;
	[tilespmem:$0x1B000] =	vst v63  }
0xef: {  	_ =	swait.ge [sflag:s10], $0x8000  }
0xf0: {  	[sflag:s10] =	ssyncset.done $0x0  }
0xf1: {  	[sflag:s10] =	ssyncadd.s32 $0xFFFF8000  }
0xf2: {  	_ =	swait.ge [sflag:s10], $0x1000  }
0xf3: {  	s0 =	sld [smem:$0x7EF]  }
0xf4: {  	[sflag:s10] =	ssyncset.done $0x0  }
0xf5: {  	s1 =	sld [smem:$0x7F0];
	[sflag:s10] =	ssyncadd.s32 $0xFFFFF000  }
0xf6: {  	[hbm4b:s0+s11] =	stream.strided.scatter [tilespmem:s2], [sflag:$0x4], $0x8000, s12, s11, $0x38;
	[tilespmem:$0x1B000] =	vst v63  }
0xf7: {  	_ = 	snop  }
0xf8: {  	[hbm4b:s1+s13] =	stream.strided.scatter [tilespmem:s6], [sflag:$0x4], $0x1000, s12, s13, $0x38;
	[tilespmem:$0x1B000] =	vst v63  }
0xf9: {  	_ =	swait.ge [sflag:s8], $0x8000  }
0xfa: {  	[sflag:s8] =	ssyncset.done $0x0  }
0xfb: {  	[sflag:s8] =	ssyncadd.s32 $0xFFFF8000  }
0xfc: {  	_ =	swait.ge [sflag:s8], $0x1000  }
0xfd: {  	s0 =	sld [smem:$0x7F1]  }
0xfe: {  	[sflag:s8] =	ssyncset.done $0x0  }
0xff: {  	s1 =	sld [smem:$0x7F2];
	[sflag:s8] =	ssyncadd.s32 $0xFFFFF000  }
0x100: {  	[tilespmem:s18], [sflag:$0x3] =	stream.linear.gather [hbm4b:s0+s2], $0x8000, $0x38;
	[tilespmem:$0x1B000] =	vst v63  }
0x101: {  	_ = 	snop  }
0x102: {  	[tilespmem:s19], [sflag:$0x3] =	stream.linear.gather [hbm4b:s1+s2], $0x1000, $0x38;
	[tilespmem:$0x1B000] =	vst v63  }
0x103: {  	_ =	swait.ge [sflag:s25], $0x8000  }
0x104: {  	[sflag:s25] =	ssyncset.done $0x0  }
0x105: {  	[sflag:s25] =	ssyncadd.s32 $0xFFFF8000  }
0x106: {  	_ =	swait.ge [sflag:s25], $0x1000  }
0x107: {  	[sflag:s25] =	ssyncset.done $0x0  }
0x108: {  	s1 =	sld [smem:$0x7F3];
	[sflag:s25] =	ssyncadd.s32 $0xFFFFF000  }
0x109: {  	[hbm4b:s26+s11] =	stream.strided.scatter [tilespmem:s22], [sflag:$0x5], $0x8000, s12, s11, $0x38;
	[tilespmem:$0x1B000] =	vst v63  }
0x10a: {  	_ = 	snop  }
0x10b: {  	[hbm4b:s1+s13] =	stream.strided.scatter [tilespmem:s23], [sflag:$0x5], $0x1000, s12, s13, $0x38;
	[tilespmem:$0x1B000] =	vst v63  }
0x10c: {  	_ =	swait.ge [sflag:s3], $0x8000  }
0x10d: {  	[sflag:s3] =	ssyncset.done $0x0  }
0x10e: {  	[sflag:s3] =	ssyncadd.s32 $0xFFFF8000  }
0x10f: {  	_ =	swait.ge [sflag:s3], $0x1000  }
0x110: {  	s0 =	sld [smem:$0x7F4]  }
0x111: {  	[sflag:s3] =	ssyncset.done $0x0  }
0x112: {  	s1 =	sld [smem:$0x7F5];
	[sflag:s3] =	ssyncadd.s32 $0xFFFFF000  }
0x113: {  	[tilespmem:s2], [sflag:$0x1] =	stream.linear.gather [hbm4b:s0+s2], $0x8000, $0x38;
	[tilespmem:$0x1B000] =	vst v63  }
0x114: {  	_ = 	snop  }
0x115: {  	[tilespmem:s6], [sflag:$0x1] =	stream.linear.gather [hbm4b:s1+s2], $0x1000, $0x38;
	[tilespmem:$0x1B000] =	vst v63  }
0x116: {  	_ =	swait.ge [sflag:s21], $0x8000  }
0x117: {  	[sflag:s21] =	ssyncset.done $0x0  }
0x118: {  	[sflag:s21] =	ssyncadd.s32 $0xFFFF8000  }
0x119: {  	_ =	swait.ge [sflag:s21], $0x1000  }
0x11a: {  	[sflag:s21] =	ssyncset.done $0x0  }
0x11b: {  	s1 =	sld [smem:$0x7F6];
	[sflag:s21] =	ssyncadd.s32 $0xFFFFF000  }
0x11c: {  	[hbm4b:s24+s11] =	stream.strided.scatter [tilespmem:s18], [sflag:$0x6], $0x8000, s12, s11, $0x38;
	[tilespmem:$0x1B000] =	vst v63  }
0x11d: {  	_ = 	snop  }
0x11e: {  	[hbm4b:s1+s13] =	stream.strided.scatter [tilespmem:s19], [sflag:$0x6], $0x1000, s12, s13, $0x38;
	[tilespmem:$0x1B000] =	vst v63  }
0x11f: {  	_ =	swait.ge [sflag:s15], $0x8000  }
0x120: {  	[sflag:s15] =	ssyncset.done $0x0  }
0x121: {  	[sflag:s15] =	ssyncadd.s32 $0xFFFF8000  }
0x122: {  	_ =	swait.ge [sflag:s15], $0x1000  }
0x123: {  	s0 =	sld [smem:$0x7F7]  }
0x124: {  	[sflag:s15] =	ssyncset.done $0x0  }
0x125: {  	s1 =	sld [smem:$0x7F8];
	[sflag:s15] =	ssyncadd.s32 $0xFFFFF000  }
0x126: {  	[tilespmem:s22], [sflag:$0x2] =	stream.linear.gather [hbm4b:s0+s2], $0x8000, $0x38;
	[tilespmem:$0x1B000] =	vst v63  }
0x127: {  	_ = 	snop  }
0x128: {  	[tilespmem:s23], [sflag:$0x2] =	stream.linear.gather [hbm4b:s1+s2], $0x1000, $0x38;
	[tilespmem:$0x1B000] =	vst v63  }
0x129: {  	_ =	swait.ge [sflag:s10], $0x8000  }
0x12a: {  	[sflag:s10] =	ssyncset.done $0x0  }
0x12b: {  	[sflag:s10] =	ssyncadd.s32 $0xFFFF8000  }
0x12c: {  	_ =	swait.ge [sflag:s10], $0x1000  }
0x12d: {  	s0 =	sld [smem:$0x7F9]  }
0x12e: {  	[sflag:s10] =	ssyncset.done $0x0  }
0x12f: {  	s1 =	sld [smem:$0x7FA];
	[sflag:s10] =	ssyncadd.s32 $0xFFFFF000  }
0x130: {  	[hbm4b:s0+s11] =	stream.strided.scatter [tilespmem:s2], [sflag:$0x4], $0x8000, s12, s11, $0x38;
	[tilespmem:$0x1B000] =	vst v63  }
0x131: {  	_ = 	snop  }
0x132: {  	[hbm4b:s1+s13] =	stream.strided.scatter [tilespmem:s6], [sflag:$0x4], $0x1000, s12, s13, $0x38;
	[tilespmem:$0x1B000] =	vst v63  }
0x133: {  	_ =	swait.ge [sflag:s8], $0x8000  }
0x134: {  	[sflag:s8] =	ssyncset.done $0x0  }
0x135: {  	[sflag:s8] =	ssyncadd.s32 $0xFFFF8000  }
0x136: {  	_ =	swait.ge [sflag:s8], $0x1000  }
0x137: {  	s0 =	sld [smem:$0x7FB]  }
0x138: {  	[sflag:s8] =	ssyncset.done $0x0  }
0x139: {  	s1 =	sld [smem:$0x7FC];
	[sflag:s8] =	ssyncadd.s32 $0xFFFFF000  }
0x13a: {  	[tilespmem:s18], [sflag:$0x3] =	stream.linear.gather [hbm4b:s0+s2], $0x8000, $0x38;
	[tilespmem:$0x1B000] =	vst v63  }
0x13b: {  	_ = 	snop  }
0x13c: {  	[tilespmem:s19], [sflag:$0x3] =	stream.linear.gather [hbm4b:s1+s2], $0x1000, $0x38;
	[tilespmem:$0x1B000] =	vst v63  }
0x13d: {  	_ =	swait.ge [sflag:s25], $0x8000  }
0x13e: {  	[sflag:s25] =	ssyncset.done $0x0  }
0x13f: {  	[sflag:s25] =	ssyncadd.s32 $0xFFFF8000  }
0x140: {  	_ =	swait.ge [sflag:s25], $0x1000  }
0x141: {  	s1 =	sld [smem:$0x7FD]  }
0x142: {  	[sflag:s25] =	ssyncset.done $0x0  }
0x143: {  	[sflag:s25] =	ssyncadd.s32 $0xFFFFF000  }
0x144: {  	[hbm4b:s1+s11] =	stream.strided.scatter [tilespmem:s22], [sflag:$0x5], $0x8000, s12, s11, $0x38;
	[tilespmem:$0x1B000] =	vst v63  }
0x145: {  	_ = 	snop  }
0x146: {  	[hbm4b:s17+s13] =	stream.strided.scatter [tilespmem:s23], [sflag:$0x5], $0x1000, s12, s13, $0x38;
	[tilespmem:$0x1B000] =	vst v63  }
0x147: {  	_ =	swait.ge [sflag:s3], $0x8000  }
0x148: {  	[sflag:s3] =	ssyncset.done $0x0  }
0x149: {  	[sflag:s3] =	ssyncadd.s32 $0xFFFF8000  }
0x14a: {  	_ =	swait.ge [sflag:s3], $0x1000  }
0x14b: {  	[sflag:s3] =	ssyncset.done $0x0  }
0x14c: {  	[sflag:s3] =	ssyncadd.s32 $0xFFFFF000  }
0x14d: {  	[tilespmem:s2], [sflag:$0x1] =	stream.linear.gather [hbm4b:s14+s2], $0x8000, $0x38;
	[tilespmem:$0x1B000] =	vst v63  }
0x14e: {  	_ = 	snop  }
0x14f: {  	[tilespmem:s6], [sflag:$0x1] =	stream.linear.gather [hbm4b:s16+s2], $0x1000, $0x38;
	[tilespmem:$0x1B000] =	vst v63  }
0x150: {  	_ =	swait.ge [sflag:s21], $0x8000  }
0x151: {  	[sflag:s21] =	ssyncset.done $0x0  }
0x152: {  	[sflag:s21] =	ssyncadd.s32 $0xFFFF8000  }
0x153: {  	_ =	swait.ge [sflag:s21], $0x1000  }
0x154: {  	[sflag:s21] =	ssyncset.done $0x0  }
0x155: {  	[sflag:s21] =	ssyncadd.s32 $0xFFFFF000  }
0x156: {  	[hbm4b:s7+s11] =	stream.strided.scatter [tilespmem:s18], [sflag:$0x6], $0x8000, s12, s11, $0x38;
	[tilespmem:$0x1B000] =	vst v63  }
0x157: {  	_ = 	snop  }
0x158: {  	[hbm4b:s9+s13] =	stream.strided.scatter [tilespmem:s19], [sflag:$0x6], $0x1000, s12, s13, $0x38;
	[tilespmem:$0x1B000] =	vst v63  }
0x159: {  	_ =	swait.ge [sflag:s10], $0x8000  }
0x15a: {  	[sflag:s10] =	ssyncset.done $0x0  }
0x15b: {  	[sflag:s10] =	ssyncadd.s32 $0xFFFF8000  }
0x15c: {  	_ =	swait.ge [sflag:s10], $0x1000  }
0x15d: {  	[sflag:s10] =	ssyncset.done $0x0  }
0x15e: {  	[sflag:s10] =	ssyncadd.s32 $0xFFFFF000  }
0x15f: {  	[hbm4b:s4+s11] =	stream.strided.scatter [tilespmem:s2], [sflag:$0x4], $0x8000, s12, s11, $0x38;
	[tilespmem:$0x1B000] =	vst v63  }
0x160: {  	_ = 	snop  }
0x161: {  	[hbm4b:s5+s13] =	stream.strided.scatter [tilespmem:s6], [sflag:$0x4], $0x1000, s12, s13, $0x38;
	[tilespmem:$0x1B000] =	vst v63  }
0x162: {  	_ =	swait.ge [sflag:s15], $0x8000  }
0x163: {  	[sflag:s15] =	ssyncset.done $0x0  }
0x164: {  	[sflag:s15] =	ssyncadd.s32 $0xFFFF8000  }
0x165: {  	_ =	swait.ge [sflag:s15], $0x1000  }
0x166: {  	[sflag:s15] =	ssyncset.done $0x0  }
0x167: {  	[sflag:s15] =	ssyncadd.s32 $0xFFFFF000  }
0x168: {  	_ =	swait.ge [sflag:s8], $0x8000  }
0x169: {  	[sflag:s8] =	ssyncset.done $0x0  }
0x16a: {  	[sflag:s8] =	ssyncadd.s32 $0xFFFF8000  }
0x16b: {  	_ =	swait.ge [sflag:s8], $0x1000  }
0x16c: {  	[sflag:s8] =	ssyncset.done $0x0  }
0x16d: {  	[sflag:s8] =	ssyncadd.s32 $0xFFFFF000  }
0x16e: {  	_ =	swait.ge [sflag:s3], $0x8000  }
0x16f: {  	s1 =	sld [smem:$0x7E6];
	_ =	sdelay $0x2  }
0x170: {  	p1 =	sne.s32 s1, $0x1  }
.Ltmp1:
0x171: {  	[sflag:s3] =	ssyncset.done $0x0;
	(pc) =	sbr.rel @!p1 .LBB2_2-.Ltmp1, $4  }
0x172: {  	[sflag:s3] =	ssyncadd.s32 $0xFFFF8000  }
0x173: {  	_ =	swait.ge [sflag:s3], $0x1000  }
0x174: {  	s0 =	sadd.s32 $0xFFFFFFFF, s1;
	s1 =	rddreg [dreg:$0x4]  }
0x175: {  	p0 =	por $0x1, $0x1;
	[sflag:s3] =	ssyncset.done $0x0;
	[smem:$0x7E7] =	sst s29  }
.LBB2_3:
0x176: {  	[sflag:s3] =	ssyncadd.s32 $0xFFFFF000  }
0x177: {  	[tilespmem:s2], [sflag:$0x1] =	stream.linear.gather [hbm4b:s1+s2], $0x8000, $0x38;
	[tilespmem:$0x1B000] =	vst v63  }
0x178: {  	s29 =	smov.u32 s20  }
0x179: {  	[tilespmem:s6], [sflag:$0x1] =	stream.linear.gather [hbm4b:s20+s2], $0x1000, $0x38;
	[tilespmem:$0x1B000] =	vst v63  }
0x17a: {  	s1 =	rddreg [dreg:$0x5];
	s20 =	smov.u32 s17;
	s17 =	smov.u32 s16  }
0x17b: {  	s16 =	smov.u32 s14;
	s14 =	smov.u32 s7;
	s7 =	smov.u32 s9  }
0x17c: {  	[tilespmem:s22], [sflag:$0x2] =	stream.linear.gather [hbm4b:s1+s2], $0x8000, $0x38;
	[tilespmem:$0x1B000] =	vst v63  }
0x17d: {  	s9 =	smov.u32 s4;
	s4 =	smov.u32 s5;
	s5 =	rddreg [dreg:$0x6]  }
0x17e: {  	[tilespmem:s23], [sflag:$0x2] =	stream.linear.gather [hbm4b:s5+s2], $0x1000, $0x38;
	[tilespmem:$0x1B000] =	vst v63  }
0x17f: {  	_ =	swait.ge [sflag:s10], $0x8000  }
0x180: {  	[sflag:s10] =	ssyncset.done $0x0  }
0x181: {  	[sflag:s10] =	ssyncadd.s32 $0xFFFF8000  }
0x182: {  	_ =	swait.ge [sflag:s10], $0x1000  }
0x183: {  	[sflag:s10] =	ssyncset.done $0x0  }
0x184: {  	s1 =	rddreg [dreg:$0x7];
	[sflag:s10] =	ssyncadd.s32 $0xFFFFF000  }
0x185: {  	[hbm4b:s1+s11] =	stream.strided.scatter [tilespmem:s2], [sflag:$0x4], $0x8000, s12, s11, $0x38;
	[tilespmem:$0x1B000] =	vst v63  }
0x186: {  	s5 =	rddreg [dreg:$0x8]  }
0x187: {  	[hbm4b:s5+s13] =	stream.strided.scatter [tilespmem:s6], [sflag:$0x4], $0x1000, s12, s13, $0x38;
	[tilespmem:$0x1B000] =	vst v63  }
0x188: {  	s1 =	rddreg [dreg:$0x9]  }
0x189: {  	[tilespmem:s18], [sflag:$0x3] =	stream.linear.gather [hbm4b:s1+s2], $0x8000, $0x38;
	[tilespmem:$0x1B000] =	vst v63  }
0x18a: {  	s5 =	rddreg [dreg:$0xa]  }
0x18b: {  	[tilespmem:s19], [sflag:$0x3] =	stream.linear.gather [hbm4b:s5+s2], $0x1000, $0x38;
	[tilespmem:$0x1B000] =	vst v63  }
0x18c: {  	_ =	swait.ge [sflag:s25], $0x8000  }
0x18d: {  	[sflag:s25] =	ssyncset.done $0x0  }
0x18e: {  	[sflag:s25] =	ssyncadd.s32 $0xFFFF8000  }
0x18f: {  	_ =	swait.ge [sflag:s25], $0x1000  }
0x190: {  	[sflag:s25] =	ssyncset.done $0x0  }
0x191: {  	s1 =	rddreg [dreg:$0xb];
	[sflag:s25] =	ssyncadd.s32 $0xFFFFF000  }
0x192: {  	[hbm4b:s1+s11] =	stream.strided.scatter [tilespmem:s22], [sflag:$0x5], $0x8000, s12, s11, $0x38;
	[tilespmem:$0x1B000] =	vst v63  }
0x193: {  	s5 =	rddreg [dreg:$0xc]  }
0x194: {  	[hbm4b:s5+s13] =	stream.strided.scatter [tilespmem:s23], [sflag:$0x5], $0x1000, s12, s13, $0x38;
	[tilespmem:$0x1B000] =	vst v63  }
0x195: {  	_ =	swait.ge [sflag:s3], $0x8000  }
0x196: {  	[sflag:s3] =	ssyncset.done $0x0  }
0x197: {  	[sflag:s3] =	ssyncadd.s32 $0xFFFF8000  }
0x198: {  	_ =	swait.ge [sflag:s3], $0x1000  }
0x199: {  	[sflag:s3] =	ssyncset.done $0x0  }
0x19a: {  	s1 =	rddreg [dreg:$0xd];
	[sflag:s3] =	ssyncadd.s32 $0xFFFFF000  }
0x19b: {  	[tilespmem:s2], [sflag:$0x1] =	stream.linear.gather [hbm4b:s1+s2], $0x8000, $0x38;
	[tilespmem:$0x1B000] =	vst v63  }
0x19c: {  	s5 =	rddreg [dreg:$0xe]  }
0x19d: {  	[tilespmem:s6], [sflag:$0x1] =	stream.linear.gather [hbm4b:s5+s2], $0x1000, $0x38;
	[tilespmem:$0x1B000] =	vst v63  }
0x19e: {  	_ =	swait.ge [sflag:s21], $0x8000  }
0x19f: {  	[sflag:s21] =	ssyncset.done $0x0  }
0x1a0: {  	[sflag:s21] =	ssyncadd.s32 $0xFFFF8000  }
0x1a1: {  	_ =	swait.ge [sflag:s21], $0x1000  }
0x1a2: {  	[sflag:s21] =	ssyncset.done $0x0  }
0x1a3: {  	[sflag:s21] =	ssyncadd.s32 $0xFFFFF000  }
0x1a4: {  	[hbm4b:s31+s11] =	stream.strided.scatter [tilespmem:s18], [sflag:$0x6], $0x8000, s12, s11, $0x38;
	[tilespmem:$0x1B000] =	vst v63  }
0x1a5: {  	s5 =	rddreg [dreg:$0xf]  }
0x1a6: {  	[hbm4b:s5+s13] =	stream.strided.scatter [tilespmem:s19], [sflag:$0x6], $0x1000, s12, s13, $0x38;
	[tilespmem:$0x1B000] =	vst v63  }
0x1a7: {  	_ =	swait.ge [sflag:s15], $0x8000  }
0x1a8: {  	[sflag:s15] =	ssyncset.done $0x0  }
0x1a9: {  	[sflag:s15] =	ssyncadd.s32 $0xFFFF8000  }
0x1aa: {  	_ =	swait.ge [sflag:s15], $0x1000  }
0x1ab: {  	[sflag:s15] =	ssyncset.done $0x0  }
0x1ac: {  	s1 =	rddreg [dreg:$0x10];
	[sflag:s15] =	ssyncadd.s32 $0xFFFFF000  }
0x1ad: {  	[tilespmem:s22], [sflag:$0x2] =	stream.linear.gather [hbm4b:s1+s2], $0x8000, $0x38;
	[tilespmem:$0x1B000] =	vst v63  }
0x1ae: {  	s5 =	rddreg [dreg:$0x11]  }
0x1af: {  	[tilespmem:s23], [sflag:$0x2] =	stream.linear.gather [hbm4b:s5+s2], $0x1000, $0x38;
	[tilespmem:$0x1B000] =	vst v63  }
0x1b0: {  	_ =	swait.ge [sflag:s10], $0x8000  }
0x1b1: {  	[sflag:s10] =	ssyncset.done $0x0  }
0x1b2: {  	[sflag:s10] =	ssyncadd.s32 $0xFFFF8000  }
0x1b3: {  	_ =	swait.ge [sflag:s10], $0x1000  }
0x1b4: {  	[sflag:s10] =	ssyncset.done $0x0  }
0x1b5: {  	[sflag:s10] =	ssyncadd.s32 $0xFFFFF000  }
0x1b6: {  	[hbm4b:s30+s11] =	stream.strided.scatter [tilespmem:s2], [sflag:$0x4], $0x8000, s12, s11, $0x38;
	[tilespmem:$0x1B000] =	vst v63  }
0x1b7: {  	s5 =	rddreg [dreg:$0x12]  }
0x1b8: {  	[hbm4b:s5+s13] =	stream.strided.scatter [tilespmem:s6], [sflag:$0x4], $0x1000, s12, s13, $0x38;
	[tilespmem:$0x1B000] =	vst v63  }
0x1b9: {  	_ =	swait.ge [sflag:s8], $0x8000  }
0x1ba: {  	[sflag:s8] =	ssyncset.done $0x0  }
0x1bb: {  	[sflag:s8] =	ssyncadd.s32 $0xFFFF8000  }
0x1bc: {  	_ =	swait.ge [sflag:s8], $0x1000  }
0x1bd: {  	[sflag:s8] =	ssyncset.done $0x0  }
0x1be: {  	s1 =	rddreg [dreg:$0x13];
	[sflag:s8] =	ssyncadd.s32 $0xFFFFF000  }
0x1bf: {  	[tilespmem:s18], [sflag:$0x3] =	stream.linear.gather [hbm4b:s1+s2], $0x8000, $0x38;
	[tilespmem:$0x1B000] =	vst v63  }
0x1c0: {  	s5 =	rddreg [dreg:$0x14]  }
0x1c1: {  	[tilespmem:s19], [sflag:$0x3] =	stream.linear.gather [hbm4b:s5+s2], $0x1000, $0x38;
	[tilespmem:$0x1B000] =	vst v63  }
0x1c2: {  	_ =	swait.ge [sflag:s25], $0x8000  }
0x1c3: {  	[sflag:s25] =	ssyncset.done $0x0  }
0x1c4: {  	[sflag:s25] =	ssyncadd.s32 $0xFFFF8000  }
0x1c5: {  	_ =	swait.ge [sflag:s25], $0x1000  }
0x1c6: {  	[sflag:s25] =	ssyncset.done $0x0  }
0x1c7: {  	s1 =	rddreg [dreg:$0x15];
	[sflag:s25] =	ssyncadd.s32 $0xFFFFF000  }
0x1c8: {  	[hbm4b:s1+s11] =	stream.strided.scatter [tilespmem:s22], [sflag:$0x5], $0x8000, s12, s11, $0x38;
	[tilespmem:$0x1B000] =	vst v63  }
0x1c9: {  	s5 =	rddreg [dreg:$0x16]  }
0x1ca: {  	[hbm4b:s5+s13] =	stream.strided.scatter [tilespmem:s23], [sflag:$0x5], $0x1000, s12, s13, $0x38;
	[tilespmem:$0x1B000] =	vst v63  }
0x1cb: {  	_ =	swait.ge [sflag:s3], $0x8000  }
0x1cc: {  	[sflag:s3] =	ssyncset.done $0x0  }
0x1cd: {  	[sflag:s3] =	ssyncadd.s32 $0xFFFF8000  }
0x1ce: {  	_ =	swait.ge [sflag:s3], $0x1000  }
0x1cf: {  	[sflag:s3] =	ssyncset.done $0x0  }
0x1d0: {  	s1 =	rddreg [dreg:$0x17];
	[sflag:s3] =	ssyncadd.s32 $0xFFFFF000  }
0x1d1: {  	[tilespmem:s2], [sflag:$0x1] =	stream.linear.gather [hbm4b:s1+s2], $0x8000, $0x38;
	[tilespmem:$0x1B000] =	vst v63  }
0x1d2: {  	s5 =	rddreg [dreg:$0x18]  }
0x1d3: {  	[tilespmem:s6], [sflag:$0x1] =	stream.linear.gather [hbm4b:s5+s2], $0x1000, $0x38;
	[tilespmem:$0x1B000] =	vst v63  }
0x1d4: {  	_ =	swait.ge [sflag:s21], $0x8000  }
0x1d5: {  	[sflag:s21] =	ssyncset.done $0x0  }
0x1d6: {  	[sflag:s21] =	ssyncadd.s32 $0xFFFF8000  }
0x1d7: {  	_ =	swait.ge [sflag:s21], $0x1000  }
0x1d8: {  	[sflag:s21] =	ssyncset.done $0x0  }
0x1d9: {  	s1 =	rddreg [dreg:$0x19];
	[sflag:s21] =	ssyncadd.s32 $0xFFFFF000  }
0x1da: {  	[hbm4b:s1+s11] =	stream.strided.scatter [tilespmem:s18], [sflag:$0x6], $0x8000, s12, s11, $0x38;
	[tilespmem:$0x1B000] =	vst v63  }
0x1db: {  	s5 =	rddreg [dreg:$0x1a]  }
0x1dc: {  	[hbm4b:s5+s13] =	stream.strided.scatter [tilespmem:s19], [sflag:$0x6], $0x1000, s12, s13, $0x38;
	[tilespmem:$0x1B000] =	vst v63  }
0x1dd: {  	_ =	swait.ge [sflag:s15], $0x8000  }
0x1de: {  	[sflag:s15] =	ssyncset.done $0x0  }
0x1df: {  	[sflag:s15] =	ssyncadd.s32 $0xFFFF8000  }
0x1e0: {  	_ =	swait.ge [sflag:s15], $0x1000  }
0x1e1: {  	[sflag:s15] =	ssyncset.done $0x0  }
0x1e2: {  	s1 =	rddreg [dreg:$0x1b];
	[sflag:s15] =	ssyncadd.s32 $0xFFFFF000  }
0x1e3: {  	[tilespmem:s22], [sflag:$0x2] =	stream.linear.gather [hbm4b:s1+s2], $0x8000, $0x38;
	[tilespmem:$0x1B000] =	vst v63  }
0x1e4: {  	s5 =	rddreg [dreg:$0x1c]  }
0x1e5: {  	[tilespmem:s23], [sflag:$0x2] =	stream.linear.gather [hbm4b:s5+s2], $0x1000, $0x38;
	[tilespmem:$0x1B000] =	vst v63  }
0x1e6: {  	_ =	swait.ge [sflag:s10], $0x8000  }
0x1e7: {  	[sflag:s10] =	ssyncset.done $0x0  }
0x1e8: {  	[sflag:s10] =	ssyncadd.s32 $0xFFFF8000  }
0x1e9: {  	_ =	swait.ge [sflag:s10], $0x1000  }
0x1ea: {  	s5 =	sld [smem:$0x7E7]  }
0x1eb: {  	[sflag:s10] =	ssyncset.done $0x0  }
0x1ec: {  	[sflag:s10] =	ssyncadd.s32 $0xFFFFF000  }
0x1ed: {  	[hbm4b:s5+s11] =	stream.strided.scatter [tilespmem:s2], [sflag:$0x4], $0x8000, s12, s11, $0x38;
	[tilespmem:$0x1B000] =	vst v63  }
0x1ee: {  	s1 =	rddreg [dreg:$0x1d]  }
0x1ef: {  	[hbm4b:s1+s13] =	stream.strided.scatter [tilespmem:s6], [sflag:$0x4], $0x1000, s12, s13, $0x38;
	[tilespmem:$0x1B000] =	vst v63  }
0x1f0: {  	_ =	swait.ge [sflag:s8], $0x8000  }
0x1f1: {  	[sflag:s8] =	ssyncset.done $0x0  }
0x1f2: {  	[sflag:s8] =	ssyncadd.s32 $0xFFFF8000  }
0x1f3: {  	_ =	swait.ge [sflag:s8], $0x1000  }
0x1f4: {  	[sflag:s8] =	ssyncset.done $0x0  }
0x1f5: {  	s1 =	rddreg [dreg:$0x1e];
	[sflag:s8] =	ssyncadd.s32 $0xFFFFF000  }
0x1f6: {  	[tilespmem:s18], [sflag:$0x3] =	stream.linear.gather [hbm4b:s1+s2], $0x8000, $0x38;
	[tilespmem:$0x1B000] =	vst v63  }
0x1f7: {  	s5 =	rddreg [dreg:$0x1f]  }
0x1f8: {  	[tilespmem:s19], [sflag:$0x3] =	stream.linear.gather [hbm4b:s5+s2], $0x1000, $0x38;
	[tilespmem:$0x1B000] =	vst v63  }
0x1f9: {  	_ =	swait.ge [sflag:s25], $0x8000  }
0x1fa: {  	[sflag:s25] =	ssyncset.done $0x0  }
0x1fb: {  	[sflag:s25] =	ssyncadd.s32 $0xFFFF8000  }
0x1fc: {  	_ =	swait.ge [sflag:s25], $0x1000  }
0x1fd: {  	[sflag:s25] =	ssyncset.done $0x0  }
0x1fe: {  	s5 =	sld [smem:$0x7E8];
	[sflag:s25] =	ssyncadd.s32 $0xFFFFF000  }
0x1ff: {  	[hbm4b:s28+s11] =	stream.strided.scatter [tilespmem:s22], [sflag:$0x5], $0x8000, s12, s11, $0x38;
	[tilespmem:$0x1B000] =	vst v63  }
0x200: {  	_ = 	snop  }
0x201: {  	[hbm4b:s5+s13] =	stream.strided.scatter [tilespmem:s23], [sflag:$0x5], $0x1000, s12, s13, $0x38;
	[tilespmem:$0x1B000] =	vst v63  }
0x202: {  	_ =	swait.ge [sflag:s3], $0x8000  }
0x203: {  	[sflag:s3] =	ssyncset.done $0x0  }
0x204: {  	[sflag:s3] =	ssyncadd.s32 $0xFFFF8000  }
0x205: {  	_ =	swait.ge [sflag:s3], $0x1000  }
0x206: {  	s1 =	sld [smem:$0x7E9]  }
0x207: {  	[sflag:s3] =	ssyncset.done $0x0  }
0x208: {  	s5 =	sld [smem:$0x7EA];
	[sflag:s3] =	ssyncadd.s32 $0xFFFFF000  }
0x209: {  	[tilespmem:s2], [sflag:$0x1] =	stream.linear.gather [hbm4b:s1+s2], $0x8000, $0x38;
	[tilespmem:$0x1B000] =	vst v63  }
0x20a: {  	_ = 	snop  }
0x20b: {  	[tilespmem:s6], [sflag:$0x1] =	stream.linear.gather [hbm4b:s5+s2], $0x1000, $0x38;
	[tilespmem:$0x1B000] =	vst v63  }
0x20c: {  	_ =	swait.ge [sflag:s21], $0x8000  }
0x20d: {  	[sflag:s21] =	ssyncset.done $0x0  }
0x20e: {  	[sflag:s21] =	ssyncadd.s32 $0xFFFF8000  }
0x20f: {  	_ =	swait.ge [sflag:s21], $0x1000  }
0x210: {  	s1 =	sld [smem:$0x7EB]  }
0x211: {  	[sflag:s21] =	ssyncset.done $0x0  }
0x212: {  	s5 =	sld [smem:$0x7EC];
	[sflag:s21] =	ssyncadd.s32 $0xFFFFF000  }
0x213: {  	[hbm4b:s1+s11] =	stream.strided.scatter [tilespmem:s18], [sflag:$0x6], $0x8000, s12, s11, $0x38;
	[tilespmem:$0x1B000] =	vst v63  }
0x214: {  	_ = 	snop  }
0x215: {  	[hbm4b:s5+s13] =	stream.strided.scatter [tilespmem:s19], [sflag:$0x6], $0x1000, s12, s13, $0x38;
	[tilespmem:$0x1B000] =	vst v63  }
0x216: {  	_ =	swait.ge [sflag:s15], $0x8000  }
0x217: {  	[sflag:s15] =	ssyncset.done $0x0  }
0x218: {  	[sflag:s15] =	ssyncadd.s32 $0xFFFF8000  }
0x219: {  	_ =	swait.ge [sflag:s15], $0x1000  }
0x21a: {  	s1 =	sld [smem:$0x7ED]  }
0x21b: {  	[sflag:s15] =	ssyncset.done $0x0  }
0x21c: {  	s5 =	sld [smem:$0x7EE];
	[sflag:s15] =	ssyncadd.s32 $0xFFFFF000  }
0x21d: {  	[tilespmem:s22], [sflag:$0x2] =	stream.linear.gather [hbm4b:s1+s2], $0x8000, $0x38;
	[tilespmem:$0x1B000] =	vst v63  }
0x21e: {  	_ = 	snop  }
0x21f: {  	[tilespmem:s23], [sflag:$0x2] =	stream.linear.gather [hbm4b:s5+s2], $0x1000, $0x38;
	[tilespmem:$0x1B000] =	vst v63  }
0x220: {  	_ =	swait.ge [sflag:s10], $0x8000  }
0x221: {  	[sflag:s10] =	ssyncset.done $0x0  }
0x222: {  	[sflag:s10] =	ssyncadd.s32 $0xFFFF8000  }
0x223: {  	_ =	swait.ge [sflag:s10], $0x1000  }
0x224: {  	s1 =	sld [smem:$0x7EF]  }
0x225: {  	[sflag:s10] =	ssyncset.done $0x0  }
0x226: {  	s5 =	sld [smem:$0x7F0];
	[sflag:s10] =	ssyncadd.s32 $0xFFFFF000  }
0x227: {  	[hbm4b:s1+s11] =	stream.strided.scatter [tilespmem:s2], [sflag:$0x4], $0x8000, s12, s11, $0x38;
	[tilespmem:$0x1B000] =	vst v63  }
0x228: {  	_ = 	snop  }
0x229: {  	[hbm4b:s5+s13] =	stream.strided.scatter [tilespmem:s6], [sflag:$0x4], $0x1000, s12, s13, $0x38;
	[tilespmem:$0x1B000] =	vst v63  }
0x22a: {  	_ =	swait.ge [sflag:s8], $0x8000  }
0x22b: {  	[sflag:s8] =	ssyncset.done $0x0  }
0x22c: {  	[sflag:s8] =	ssyncadd.s32 $0xFFFF8000  }
0x22d: {  	_ =	swait.ge [sflag:s8], $0x1000  }
0x22e: {  	s1 =	sld [smem:$0x7F1]  }
0x22f: {  	[sflag:s8] =	ssyncset.done $0x0  }
0x230: {  	s5 =	sld [smem:$0x7F2];
	[sflag:s8] =	ssyncadd.s32 $0xFFFFF000  }
0x231: {  	[tilespmem:s18], [sflag:$0x3] =	stream.linear.gather [hbm4b:s1+s2], $0x8000, $0x38;
	[tilespmem:$0x1B000] =	vst v63  }
0x232: {  	_ = 	snop  }
0x233: {  	[tilespmem:s19], [sflag:$0x3] =	stream.linear.gather [hbm4b:s5+s2], $0x1000, $0x38;
	[tilespmem:$0x1B000] =	vst v63  }
0x234: {  	_ =	swait.ge [sflag:s25], $0x8000  }
0x235: {  	[sflag:s25] =	ssyncset.done $0x0  }
0x236: {  	[sflag:s25] =	ssyncadd.s32 $0xFFFF8000  }
0x237: {  	_ =	swait.ge [sflag:s25], $0x1000  }
0x238: {  	[sflag:s25] =	ssyncset.done $0x0  }
0x239: {  	s5 =	sld [smem:$0x7F3];
	[sflag:s25] =	ssyncadd.s32 $0xFFFFF000  }
0x23a: {  	[hbm4b:s26+s11] =	stream.strided.scatter [tilespmem:s22], [sflag:$0x5], $0x8000, s12, s11, $0x38;
	[tilespmem:$0x1B000] =	vst v63  }
0x23b: {  	_ = 	snop  }
0x23c: {  	[hbm4b:s5+s13] =	stream.strided.scatter [tilespmem:s23], [sflag:$0x5], $0x1000, s12, s13, $0x38;
	[tilespmem:$0x1B000] =	vst v63  }
0x23d: {  	_ =	swait.ge [sflag:s3], $0x8000  }
0x23e: {  	[sflag:s3] =	ssyncset.done $0x0  }
0x23f: {  	[sflag:s3] =	ssyncadd.s32 $0xFFFF8000  }
0x240: {  	_ =	swait.ge [sflag:s3], $0x1000  }
0x241: {  	s1 =	sld [smem:$0x7F4]  }
0x242: {  	[sflag:s3] =	ssyncset.done $0x0  }
0x243: {  	s5 =	sld [smem:$0x7F5];
	[sflag:s3] =	ssyncadd.s32 $0xFFFFF000  }
0x244: {  	[tilespmem:s2], [sflag:$0x1] =	stream.linear.gather [hbm4b:s1+s2], $0x8000, $0x38;
	[tilespmem:$0x1B000] =	vst v63  }
0x245: {  	_ = 	snop  }
0x246: {  	[tilespmem:s6], [sflag:$0x1] =	stream.linear.gather [hbm4b:s5+s2], $0x1000, $0x38;
	[tilespmem:$0x1B000] =	vst v63  }
0x247: {  	_ =	swait.ge [sflag:s21], $0x8000  }
0x248: {  	[sflag:s21] =	ssyncset.done $0x0  }
0x249: {  	[sflag:s21] =	ssyncadd.s32 $0xFFFF8000  }
0x24a: {  	_ =	swait.ge [sflag:s21], $0x1000  }
0x24b: {  	[sflag:s21] =	ssyncset.done $0x0  }
0x24c: {  	s5 =	sld [smem:$0x7F6];
	[sflag:s21] =	ssyncadd.s32 $0xFFFFF000  }
0x24d: {  	[hbm4b:s24+s11] =	stream.strided.scatter [tilespmem:s18], [sflag:$0x6], $0x8000, s12, s11, $0x38;
	[tilespmem:$0x1B000] =	vst v63  }
0x24e: {  	_ = 	snop  }
0x24f: {  	[hbm4b:s5+s13] =	stream.strided.scatter [tilespmem:s19], [sflag:$0x6], $0x1000, s12, s13, $0x38;
	[tilespmem:$0x1B000] =	vst v63  }
0x250: {  	_ =	swait.ge [sflag:s15], $0x8000  }
0x251: {  	[sflag:s15] =	ssyncset.done $0x0  }
0x252: {  	[sflag:s15] =	ssyncadd.s32 $0xFFFF8000  }
0x253: {  	_ =	swait.ge [sflag:s15], $0x1000  }
0x254: {  	s1 =	sld [smem:$0x7F7]  }
0x255: {  	[sflag:s15] =	ssyncset.done $0x0  }
0x256: {  	s5 =	sld [smem:$0x7F8];
	[sflag:s15] =	ssyncadd.s32 $0xFFFFF000  }
0x257: {  	[tilespmem:s22], [sflag:$0x2] =	stream.linear.gather [hbm4b:s1+s2], $0x8000, $0x38;
	[tilespmem:$0x1B000] =	vst v63  }
0x258: {  	_ = 	snop  }
0x259: {  	[tilespmem:s23], [sflag:$0x2] =	stream.linear.gather [hbm4b:s5+s2], $0x1000, $0x38;
	[tilespmem:$0x1B000] =	vst v63  }
0x25a: {  	_ =	swait.ge [sflag:s10], $0x8000  }
0x25b: {  	[sflag:s10] =	ssyncset.done $0x0  }
0x25c: {  	[sflag:s10] =	ssyncadd.s32 $0xFFFF8000  }
0x25d: {  	_ =	swait.ge [sflag:s10], $0x1000  }
0x25e: {  	s1 =	sld [smem:$0x7F9]  }
0x25f: {  	[sflag:s10] =	ssyncset.done $0x0  }
0x260: {  	s5 =	sld [smem:$0x7FA];
	[sflag:s10] =	ssyncadd.s32 $0xFFFFF000  }
0x261: {  	[hbm4b:s1+s11] =	stream.strided.scatter [tilespmem:s2], [sflag:$0x4], $0x8000, s12, s11, $0x38;
	[tilespmem:$0x1B000] =	vst v63  }
0x262: {  	_ = 	snop  }
0x263: {  	[hbm4b:s5+s13] =	stream.strided.scatter [tilespmem:s6], [sflag:$0x4], $0x1000, s12, s13, $0x38;
	[tilespmem:$0x1B000] =	vst v63  }
0x264: {  	_ =	swait.ge [sflag:s8], $0x8000  }
0x265: {  	[sflag:s8] =	ssyncset.done $0x0  }
0x266: {  	[sflag:s8] =	ssyncadd.s32 $0xFFFF8000  }
0x267: {  	_ =	swait.ge [sflag:s8], $0x1000  }
0x268: {  	s1 =	sld [smem:$0x7FB]  }
0x269: {  	[sflag:s8] =	ssyncset.done $0x0  }
0x26a: {  	s5 =	sld [smem:$0x7FC];
	[sflag:s8] =	ssyncadd.s32 $0xFFFFF000  }
0x26b: {  	[tilespmem:s18], [sflag:$0x3] =	stream.linear.gather [hbm4b:s1+s2], $0x8000, $0x38;
	[tilespmem:$0x1B000] =	vst v63  }
0x26c: {  	_ = 	snop  }
0x26d: {  	[tilespmem:s19], [sflag:$0x3] =	stream.linear.gather [hbm4b:s5+s2], $0x1000, $0x38;
	[tilespmem:$0x1B000] =	vst v63  }
0x26e: {  	_ =	swait.ge [sflag:s25], $0x8000  }
0x26f: {  	s5 =	smov.u32 s4;
	s4 =	smov.u32 s9;
	[sflag:s25] =	ssyncset.done $0x0  }
0x270: {  	s9 =	smov.u32 s7;
	s7 =	smov.u32 s14;
	[sflag:s25] =	ssyncadd.s32 $0xFFFF8000  }
0x271: {  	s14 =	smov.u32 s16;
	s16 =	smov.u32 s17;
	_ =	swait.ge [sflag:s25], $0x1000  }
0x272: {  	s17 =	smov.u32 s20;
	s20 =	smov.u32 s29;
	s29 =	sld [smem:$0x7FD]  }
0x273: {  	[sflag:s25] =	ssyncset.done $0x0  }
0x274: {  	[sflag:s25] =	ssyncadd.s32 $0xFFFFF000  }
0x275: {  	[hbm4b:s29+s11] =	stream.strided.scatter [tilespmem:s22], [sflag:$0x5], $0x8000, s12, s11, $0x38;
	[tilespmem:$0x1B000] =	vst v63  }
0x276: {  	_ = 	snop  }
0x277: {  	[hbm4b:s17+s13] =	stream.strided.scatter [tilespmem:s23], [sflag:$0x5], $0x1000, s12, s13, $0x38;
	[tilespmem:$0x1B000] =	vst v63  }
0x278: {  	_ =	swait.ge [sflag:s3], $0x8000  }
0x279: {  	[sflag:s3] =	ssyncset.done $0x0  }
0x27a: {  	[sflag:s3] =	ssyncadd.s32 $0xFFFF8000  }
0x27b: {  	_ =	swait.ge [sflag:s3], $0x1000  }
0x27c: {  	[sflag:s3] =	ssyncset.done $0x0  }
0x27d: {  	[sflag:s3] =	ssyncadd.s32 $0xFFFFF000  }
0x27e: {  	[tilespmem:s2], [sflag:$0x1] =	stream.linear.gather [hbm4b:s14+s2], $0x8000, $0x38;
	[tilespmem:$0x1B000] =	vst v63  }
0x27f: {  	_ = 	snop  }
0x280: {  	[tilespmem:s6], [sflag:$0x1] =	stream.linear.gather [hbm4b:s16+s2], $0x1000, $0x38;
	[tilespmem:$0x1B000] =	vst v63  }
0x281: {  	_ =	swait.ge [sflag:s21], $0x8000  }
0x282: {  	[sflag:s21] =	ssyncset.done $0x0  }
0x283: {  	[sflag:s21] =	ssyncadd.s32 $0xFFFF8000  }
0x284: {  	_ =	swait.ge [sflag:s21], $0x1000  }
0x285: {  	[sflag:s21] =	ssyncset.done $0x0  }
0x286: {  	[sflag:s21] =	ssyncadd.s32 $0xFFFFF000  }
0x287: {  	[hbm4b:s7+s11] =	stream.strided.scatter [tilespmem:s18], [sflag:$0x6], $0x8000, s12, s11, $0x38;
	[tilespmem:$0x1B000] =	vst v63  }
0x288: {  	_ = 	snop  }
0x289: {  	[hbm4b:s9+s13] =	stream.strided.scatter [tilespmem:s19], [sflag:$0x6], $0x1000, s12, s13, $0x38;
	[tilespmem:$0x1B000] =	vst v63  }
0x28a: {  	_ =	swait.ge [sflag:s10], $0x8000  }
0x28b: {  	[sflag:s10] =	ssyncset.done $0x0  }
0x28c: {  	[sflag:s10] =	ssyncadd.s32 $0xFFFF8000  }
0x28d: {  	_ =	swait.ge [sflag:s10], $0x1000  }
0x28e: {  	[sflag:s10] =	ssyncset.done $0x0  }
0x28f: {  	[sflag:s10] =	ssyncadd.s32 $0xFFFFF000  }
0x290: {  	[hbm4b:s4+s11] =	stream.strided.scatter [tilespmem:s2], [sflag:$0x4], $0x8000, s12, s11, $0x38;
	[tilespmem:$0x1B000] =	vst v63  }
0x291: {  	_ = 	snop  }
0x292: {  	[hbm4b:s5+s13] =	stream.strided.scatter [tilespmem:s6], [sflag:$0x4], $0x1000, s12, s13, $0x38;
	[tilespmem:$0x1B000] =	vst v63  }
0x293: {  	_ =	swait.ge [sflag:s15], $0x8000  }
0x294: {  	[sflag:s15] =	ssyncset.done $0x0  }
0x295: {  	[sflag:s15] =	ssyncadd.s32 $0xFFFF8000  }
0x296: {  	_ =	swait.ge [sflag:s15], $0x1000  }
0x297: {  	[sflag:s15] =	ssyncset.done $0x0  }
0x298: {  	[sflag:s15] =	ssyncadd.s32 $0xFFFFF000  }
0x299: {  	_ =	swait.ge [sflag:s8], $0x8000  }
0x29a: {  	[sflag:s8] =	ssyncset.done $0x0  }
0x29b: {  	[sflag:s8] =	ssyncadd.s32 $0xFFFF8000  }
0x29c: {  	_ =	swait.ge [sflag:s8], $0x1000  }
0x29d: {  	[sflag:s8] =	ssyncset.done $0x0  }
0x29e: {  	p1 =	sne.s32 s0, $0x1;
	[sflag:s8] =	ssyncadd.s32 $0xFFFFF000  }
.Ltmp2:
0x29f: {  	_ =	swait.ge [sflag:s3], $0x8000;
	(pc) =	sbr.rel @p1 .LBB2_3-.Ltmp2, $4  }
0x2a0: {  	[sflag:s3] =	ssyncset.done $0x0  }
0x2a1: {  	[sflag:s3] =	ssyncadd.s32 $0xFFFF8000  }
0x2a2: {  	_ =	swait.ge [sflag:s3], $0x1000  }
0x2a3: {  	s0 =	sadd.s32 $0xFFFFFFFF, s0;
	s1 =	rddreg [dreg:$0x4];
	[sflag:s3] =	ssyncset.done $0x0  }
0x2a4: {  	s29 =	sld [smem:$0x7E7]  }
.LBB2_5:
0x2a5: {  	[sflag:s3] =	ssyncadd.s32 @p0 $0xFFFFF000  }
0x2a6: {  	[tilespmem:s2], [sflag:$0x1] =	stream.linear.gather [hbm4b:s1+s2], $0x8000, $0x38;
	[tilespmem:$0x1B000] =	vst v63  }
0x2a7: {  	_ = 	snop  }
0x2a8: {  	[tilespmem:s6], [sflag:$0x1] =	stream.linear.gather [hbm4b:s20+s2], $0x1000, $0x38;
	[tilespmem:$0x1B000] =	vst v63  }
0x2a9: {  	s0 =	rddreg [dreg:$0x5]  }
0x2aa: {  	[tilespmem:s22], [sflag:$0x2] =	stream.linear.gather [hbm4b:s0+s2], $0x8000, $0x38;
	[tilespmem:$0x1B000] =	vst v63  }
0x2ab: {  	s20 =	rddreg [dreg:$0x6]  }
0x2ac: {  	[tilespmem:s23], [sflag:$0x2] =	stream.linear.gather [hbm4b:s20+s2], $0x1000, $0x38;
	[tilespmem:$0x1B000] =	vst v63  }
0x2ad: {  	_ =	swait.ge [sflag:s10], $0x8000  }
0x2ae: {  	[sflag:s10] =	ssyncset.done $0x0  }
0x2af: {  	[sflag:s10] =	ssyncadd.s32 $0xFFFF8000  }
0x2b0: {  	_ =	swait.ge [sflag:s10], $0x1000  }
0x2b1: {  	[sflag:s10] =	ssyncset.done $0x0  }
0x2b2: {  	s1 =	rddreg [dreg:$0x7];
	[sflag:s10] =	ssyncadd.s32 $0xFFFFF000  }
0x2b3: {  	[hbm4b:s1+s11] =	stream.strided.scatter [tilespmem:s2], [sflag:$0x4], $0x8000, s12, s11, $0x38;
	[tilespmem:$0x1B000] =	vst v63  }
0x2b4: {  	s20 =	rddreg [dreg:$0x8]  }
0x2b5: {  	[hbm4b:s20+s13] =	stream.strided.scatter [tilespmem:s6], [sflag:$0x4], $0x1000, s12, s13, $0x38;
	[tilespmem:$0x1B000] =	vst v63  }
0x2b6: {  	s0 =	rddreg [dreg:$0x9]  }
0x2b7: {  	[tilespmem:s18], [sflag:$0x3] =	stream.linear.gather [hbm4b:s0+s2], $0x8000, $0x38;
	[tilespmem:$0x1B000] =	vst v63  }
0x2b8: {  	s20 =	rddreg [dreg:$0xa]  }
0x2b9: {  	[tilespmem:s19], [sflag:$0x3] =	stream.linear.gather [hbm4b:s20+s2], $0x1000, $0x38;
	[tilespmem:$0x1B000] =	vst v63  }
0x2ba: {  	_ =	swait.ge [sflag:s25], $0x8000  }
0x2bb: {  	[sflag:s25] =	ssyncset.done $0x0  }
0x2bc: {  	[sflag:s25] =	ssyncadd.s32 $0xFFFF8000  }
0x2bd: {  	_ =	swait.ge [sflag:s25], $0x1000  }
0x2be: {  	[sflag:s25] =	ssyncset.done $0x0  }
0x2bf: {  	s1 =	rddreg [dreg:$0xb];
	[sflag:s25] =	ssyncadd.s32 $0xFFFFF000  }
0x2c0: {  	[hbm4b:s1+s11] =	stream.strided.scatter [tilespmem:s22], [sflag:$0x5], $0x8000, s12, s11, $0x38;
	[tilespmem:$0x1B000] =	vst v63  }
0x2c1: {  	s20 =	rddreg [dreg:$0xc]  }
0x2c2: {  	[hbm4b:s20+s13] =	stream.strided.scatter [tilespmem:s23], [sflag:$0x5], $0x1000, s12, s13, $0x38;
	[tilespmem:$0x1B000] =	vst v63  }
0x2c3: {  	_ =	swait.ge [sflag:s3], $0x8000  }
0x2c4: {  	[sflag:s3] =	ssyncset.done $0x0  }
0x2c5: {  	[sflag:s3] =	ssyncadd.s32 $0xFFFF8000  }
0x2c6: {  	_ =	swait.ge [sflag:s3], $0x1000  }
0x2c7: {  	[sflag:s3] =	ssyncset.done $0x0  }
0x2c8: {  	s1 =	rddreg [dreg:$0xd];
	[sflag:s3] =	ssyncadd.s32 $0xFFFFF000  }
0x2c9: {  	[tilespmem:s2], [sflag:$0x1] =	stream.linear.gather [hbm4b:s1+s2], $0x8000, $0x38;
	[tilespmem:$0x1B000] =	vst v63  }
0x2ca: {  	s20 =	rddreg [dreg:$0xe]  }
0x2cb: {  	[tilespmem:s6], [sflag:$0x1] =	stream.linear.gather [hbm4b:s20+s2], $0x1000, $0x38;
	[tilespmem:$0x1B000] =	vst v63  }
0x2cc: {  	_ =	swait.ge [sflag:s21], $0x8000  }
0x2cd: {  	[sflag:s21] =	ssyncset.done $0x0  }
0x2ce: {  	[sflag:s21] =	ssyncadd.s32 $0xFFFF8000  }
0x2cf: {  	_ =	swait.ge [sflag:s21], $0x1000  }
0x2d0: {  	[sflag:s21] =	ssyncset.done $0x0  }
0x2d1: {  	[sflag:s21] =	ssyncadd.s32 $0xFFFFF000  }
0x2d2: {  	[hbm4b:s31+s11] =	stream.strided.scatter [tilespmem:s18], [sflag:$0x6], $0x8000, s12, s11, $0x38;
	[tilespmem:$0x1B000] =	vst v63  }
0x2d3: {  	s20 =	rddreg [dreg:$0xf]  }
0x2d4: {  	[hbm4b:s20+s13] =	stream.strided.scatter [tilespmem:s19], [sflag:$0x6], $0x1000, s12, s13, $0x38;
	[tilespmem:$0x1B000] =	vst v63  }
0x2d5: {  	_ =	swait.ge [sflag:s15], $0x8000  }
0x2d6: {  	[sflag:s15] =	ssyncset.done $0x0  }
0x2d7: {  	[sflag:s15] =	ssyncadd.s32 $0xFFFF8000  }
0x2d8: {  	_ =	swait.ge [sflag:s15], $0x1000  }
0x2d9: {  	[sflag:s15] =	ssyncset.done $0x0  }
0x2da: {  	s1 =	rddreg [dreg:$0x10];
	[sflag:s15] =	ssyncadd.s32 $0xFFFFF000  }
0x2db: {  	[tilespmem:s22], [sflag:$0x2] =	stream.linear.gather [hbm4b:s1+s2], $0x8000, $0x38;
	[tilespmem:$0x1B000] =	vst v63  }
0x2dc: {  	s20 =	rddreg [dreg:$0x11]  }
0x2dd: {  	[tilespmem:s23], [sflag:$0x2] =	stream.linear.gather [hbm4b:s20+s2], $0x1000, $0x38;
	[tilespmem:$0x1B000] =	vst v63  }
0x2de: {  	_ =	swait.ge [sflag:s10], $0x8000  }
0x2df: {  	[sflag:s10] =	ssyncset.done $0x0  }
0x2e0: {  	[sflag:s10] =	ssyncadd.s32 $0xFFFF8000  }
0x2e1: {  	_ =	swait.ge [sflag:s10], $0x1000  }
0x2e2: {  	[sflag:s10] =	ssyncset.done $0x0  }
0x2e3: {  	[sflag:s10] =	ssyncadd.s32 $0xFFFFF000  }
0x2e4: {  	[hbm4b:s30+s11] =	stream.strided.scatter [tilespmem:s2], [sflag:$0x4], $0x8000, s12, s11, $0x38;
	[tilespmem:$0x1B000] =	vst v63  }
0x2e5: {  	s31 =	rddreg [dreg:$0x12]  }
0x2e6: {  	[hbm4b:s31+s13] =	stream.strided.scatter [tilespmem:s6], [sflag:$0x4], $0x1000, s12, s13, $0x38;
	[tilespmem:$0x1B000] =	vst v63  }
0x2e7: {  	_ =	swait.ge [sflag:s8], $0x8000  }
0x2e8: {  	[sflag:s8] =	ssyncset.done $0x0  }
0x2e9: {  	[sflag:s8] =	ssyncadd.s32 $0xFFFF8000  }
0x2ea: {  	_ =	swait.ge [sflag:s8], $0x1000  }
0x2eb: {  	[sflag:s8] =	ssyncset.done $0x0  }
0x2ec: {  	s1 =	rddreg [dreg:$0x13];
	[sflag:s8] =	ssyncadd.s32 $0xFFFFF000  }
0x2ed: {  	[tilespmem:s18], [sflag:$0x3] =	stream.linear.gather [hbm4b:s1+s2], $0x8000, $0x38;
	[tilespmem:$0x1B000] =	vst v63  }
0x2ee: {  	s20 =	rddreg [dreg:$0x14]  }
0x2ef: {  	[tilespmem:s19], [sflag:$0x3] =	stream.linear.gather [hbm4b:s20+s2], $0x1000, $0x38;
	[tilespmem:$0x1B000] =	vst v63  }
0x2f0: {  	_ =	swait.ge [sflag:s25], $0x8000  }
0x2f1: {  	[sflag:s25] =	ssyncset.done $0x0  }
0x2f2: {  	[sflag:s25] =	ssyncadd.s32 $0xFFFF8000  }
0x2f3: {  	_ =	swait.ge [sflag:s25], $0x1000  }
0x2f4: {  	[sflag:s25] =	ssyncset.done $0x0  }
0x2f5: {  	s30 =	rddreg [dreg:$0x15];
	[sflag:s25] =	ssyncadd.s32 $0xFFFFF000  }
0x2f6: {  	[hbm4b:s30+s11] =	stream.strided.scatter [tilespmem:s22], [sflag:$0x5], $0x8000, s12, s11, $0x38;
	[tilespmem:$0x1B000] =	vst v63  }
0x2f7: {  	s31 =	rddreg [dreg:$0x16]  }
0x2f8: {  	[hbm4b:s31+s13] =	stream.strided.scatter [tilespmem:s23], [sflag:$0x5], $0x1000, s12, s13, $0x38;
	[tilespmem:$0x1B000] =	vst v63  }
0x2f9: {  	_ =	swait.ge [sflag:s3], $0x8000  }
0x2fa: {  	[sflag:s3] =	ssyncset.done $0x0  }
0x2fb: {  	[sflag:s3] =	ssyncadd.s32 $0xFFFF8000  }
0x2fc: {  	_ =	swait.ge [sflag:s3], $0x1000  }
0x2fd: {  	[sflag:s3] =	ssyncset.done $0x0  }
0x2fe: {  	s1 =	rddreg [dreg:$0x17];
	[sflag:s3] =	ssyncadd.s32 $0xFFFFF000  }
0x2ff: {  	[tilespmem:s2], [sflag:$0x1] =	stream.linear.gather [hbm4b:s1+s2], $0x8000, $0x38;
	[tilespmem:$0x1B000] =	vst v63  }
0x300: {  	s20 =	rddreg [dreg:$0x18]  }
0x301: {  	[tilespmem:s6], [sflag:$0x1] =	stream.linear.gather [hbm4b:s20+s2], $0x1000, $0x38;
	[tilespmem:$0x1B000] =	vst v63  }
0x302: {  	_ =	swait.ge [sflag:s21], $0x8000  }
0x303: {  	[sflag:s21] =	ssyncset.done $0x0  }
0x304: {  	[sflag:s21] =	ssyncadd.s32 $0xFFFF8000  }
0x305: {  	_ =	swait.ge [sflag:s21], $0x1000  }
0x306: {  	[sflag:s21] =	ssyncset.done $0x0  }
0x307: {  	s30 =	rddreg [dreg:$0x19];
	[sflag:s21] =	ssyncadd.s32 $0xFFFFF000  }
0x308: {  	[hbm4b:s30+s11] =	stream.strided.scatter [tilespmem:s18], [sflag:$0x6], $0x8000, s12, s11, $0x38;
	[tilespmem:$0x1B000] =	vst v63  }
0x309: {  	s31 =	rddreg [dreg:$0x1a]  }
0x30a: {  	[hbm4b:s31+s13] =	stream.strided.scatter [tilespmem:s19], [sflag:$0x6], $0x1000, s12, s13, $0x38;
	[tilespmem:$0x1B000] =	vst v63  }
0x30b: {  	_ =	swait.ge [sflag:s15], $0x8000  }
0x30c: {  	[sflag:s15] =	ssyncset.done $0x0  }
0x30d: {  	[sflag:s15] =	ssyncadd.s32 $0xFFFF8000  }
0x30e: {  	_ =	swait.ge [sflag:s15], $0x1000  }
0x30f: {  	[sflag:s15] =	ssyncset.done $0x0  }
0x310: {  	s20 =	rddreg [dreg:$0x1b];
	[sflag:s15] =	ssyncadd.s32 $0xFFFFF000  }
0x311: {  	[tilespmem:s22], [sflag:$0x2] =	stream.linear.gather [hbm4b:s20+s2], $0x8000, $0x38;
	[tilespmem:$0x1B000] =	vst v63  }
0x312: {  	s30 =	rddreg [dreg:$0x1c]  }
0x313: {  	[tilespmem:s23], [sflag:$0x2] =	stream.linear.gather [hbm4b:s30+s2], $0x1000, $0x38;
	[tilespmem:$0x1B000] =	vst v63  }
0x314: {  	_ =	swait.ge [sflag:s10], $0x8000  }
0x315: {  	[sflag:s10] =	ssyncset.done $0x0  }
0x316: {  	[sflag:s10] =	ssyncadd.s32 $0xFFFF8000  }
0x317: {  	_ =	swait.ge [sflag:s10], $0x1000  }
0x318: {  	[sflag:s10] =	ssyncset.done $0x0  }
0x319: {  	[sflag:s10] =	ssyncadd.s32 $0xFFFFF000  }
0x31a: {  	[hbm4b:s29+s11] =	stream.strided.scatter [tilespmem:s2], [sflag:$0x4], $0x8000, s12, s11, $0x38;
	[tilespmem:$0x1B000] =	vst v63  }
0x31b: {  	s31 =	rddreg [dreg:$0x1d]  }
0x31c: {  	[hbm4b:s31+s13] =	stream.strided.scatter [tilespmem:s6], [sflag:$0x4], $0x1000, s12, s13, $0x38;
	[tilespmem:$0x1B000] =	vst v63  }
0x31d: {  	_ =	swait.ge [sflag:s8], $0x8000  }
0x31e: {  	[sflag:s8] =	ssyncset.done $0x0  }
0x31f: {  	[sflag:s8] =	ssyncadd.s32 $0xFFFF8000  }
0x320: {  	_ =	swait.ge [sflag:s8], $0x1000  }
0x321: {  	[sflag:s8] =	ssyncset.done $0x0  }
0x322: {  	s1 =	rddreg [dreg:$0x1e];
	[sflag:s8] =	ssyncadd.s32 $0xFFFFF000  }
0x323: {  	[tilespmem:s18], [sflag:$0x3] =	stream.linear.gather [hbm4b:s1+s2], $0x8000, $0x38;
	[tilespmem:$0x1B000] =	vst v63  }
0x324: {  	s20 =	rddreg [dreg:$0x1f]  }
0x325: {  	[tilespmem:s19], [sflag:$0x3] =	stream.linear.gather [hbm4b:s20+s2], $0x1000, $0x38;
	[tilespmem:$0x1B000] =	vst v63  }
0x326: {  	_ =	swait.ge [sflag:s25], $0x8000  }
0x327: {  	[sflag:s25] =	ssyncset.done $0x0  }
0x328: {  	[sflag:s25] =	ssyncadd.s32 $0xFFFF8000  }
0x329: {  	_ =	swait.ge [sflag:s25], $0x1000  }
0x32a: {  	[sflag:s25] =	ssyncset.done $0x0  }
0x32b: {  	s29 =	sld [smem:$0x7E8];
	[sflag:s25] =	ssyncadd.s32 $0xFFFFF000  }
0x32c: {  	[hbm4b:s28+s11] =	stream.strided.scatter [tilespmem:s22], [sflag:$0x5], $0x8000, s12, s11, $0x38;
	[tilespmem:$0x1B000] =	vst v63  }
0x32d: {  	_ = 	snop  }
0x32e: {  	[hbm4b:s29+s13] =	stream.strided.scatter [tilespmem:s23], [sflag:$0x5], $0x1000, s12, s13, $0x38;
	[tilespmem:$0x1B000] =	vst v63  }
0x32f: {  	_ =	swait.ge [sflag:s3], $0x8000  }
0x330: {  	[sflag:s3] =	ssyncset.done $0x0  }
0x331: {  	[sflag:s3] =	ssyncadd.s32 $0xFFFF8000  }
0x332: {  	_ =	swait.ge [sflag:s3], $0x1000  }
0x333: {  	s30 =	sld [smem:$0x7E9]  }
0x334: {  	[sflag:s3] =	ssyncset.done $0x0  }
0x335: {  	s31 =	sld [smem:$0x7EA];
	[sflag:s3] =	ssyncadd.s32 $0xFFFFF000  }
0x336: {  	[tilespmem:s2], [sflag:$0x1] =	stream.linear.gather [hbm4b:s30+s2], $0x8000, $0x38;
	[tilespmem:$0x1B000] =	vst v63  }
0x337: {  	_ = 	snop  }
0x338: {  	[tilespmem:s6], [sflag:$0x1] =	stream.linear.gather [hbm4b:s31+s2], $0x1000, $0x38;
	[tilespmem:$0x1B000] =	vst v63  }
0x339: {  	_ =	swait.ge [sflag:s21], $0x8000  }
0x33a: {  	[sflag:s21] =	ssyncset.done $0x0  }
0x33b: {  	[sflag:s21] =	ssyncadd.s32 $0xFFFF8000  }
0x33c: {  	_ =	swait.ge [sflag:s21], $0x1000  }
0x33d: {  	s1 =	sld [smem:$0x7EB]  }
0x33e: {  	[sflag:s21] =	ssyncset.done $0x0  }
0x33f: {  	s20 =	sld [smem:$0x7EC];
	[sflag:s21] =	ssyncadd.s32 $0xFFFFF000  }
0x340: {  	[hbm4b:s1+s11] =	stream.strided.scatter [tilespmem:s18], [sflag:$0x6], $0x8000, s12, s11, $0x38;
	[tilespmem:$0x1B000] =	vst v63  }
0x341: {  	_ = 	snop  }
0x342: {  	[hbm4b:s20+s13] =	stream.strided.scatter [tilespmem:s19], [sflag:$0x6], $0x1000, s12, s13, $0x38;
	[tilespmem:$0x1B000] =	vst v63  }
0x343: {  	_ =	swait.ge [sflag:s15], $0x8000  }
0x344: {  	[sflag:s15] =	ssyncset.done $0x0  }
0x345: {  	[sflag:s15] =	ssyncadd.s32 $0xFFFF8000  }
0x346: {  	_ =	swait.ge [sflag:s15], $0x1000  }
0x347: {  	s28 =	sld [smem:$0x7ED]  }
0x348: {  	[sflag:s15] =	ssyncset.done $0x0  }
0x349: {  	s29 =	sld [smem:$0x7EE];
	[sflag:s15] =	ssyncadd.s32 $0xFFFFF000  }
0x34a: {  	[tilespmem:s22], [sflag:$0x2] =	stream.linear.gather [hbm4b:s28+s2], $0x8000, $0x38;
	[tilespmem:$0x1B000] =	vst v63  }
0x34b: {  	_ = 	snop  }
0x34c: {  	[tilespmem:s23], [sflag:$0x2] =	stream.linear.gather [hbm4b:s29+s2], $0x1000, $0x38;
	[tilespmem:$0x1B000] =	vst v63  }
0x34d: {  	_ =	swait.ge [sflag:s10], $0x8000  }
0x34e: {  	[sflag:s10] =	ssyncset.done $0x0  }
0x34f: {  	[sflag:s10] =	ssyncadd.s32 $0xFFFF8000  }
0x350: {  	_ =	swait.ge [sflag:s10], $0x1000  }
0x351: {  	s30 =	sld [smem:$0x7EF]  }
0x352: {  	[sflag:s10] =	ssyncset.done $0x0  }
0x353: {  	s31 =	sld [smem:$0x7F0];
	[sflag:s10] =	ssyncadd.s32 $0xFFFFF000  }
0x354: {  	[hbm4b:s30+s11] =	stream.strided.scatter [tilespmem:s2], [sflag:$0x4], $0x8000, s12, s11, $0x38;
	[tilespmem:$0x1B000] =	vst v63  }
0x355: {  	_ = 	snop  }
0x356: {  	[hbm4b:s31+s13] =	stream.strided.scatter [tilespmem:s6], [sflag:$0x4], $0x1000, s12, s13, $0x38;
	[tilespmem:$0x1B000] =	vst v63  }
0x357: {  	_ =	swait.ge [sflag:s8], $0x8000  }
0x358: {  	[sflag:s8] =	ssyncset.done $0x0  }
0x359: {  	[sflag:s8] =	ssyncadd.s32 $0xFFFF8000  }
0x35a: {  	_ =	swait.ge [sflag:s8], $0x1000  }
0x35b: {  	s1 =	sld [smem:$0x7F1]  }
0x35c: {  	[sflag:s8] =	ssyncset.done $0x0  }
0x35d: {  	s20 =	sld [smem:$0x7F2];
	[sflag:s8] =	ssyncadd.s32 $0xFFFFF000  }
0x35e: {  	[tilespmem:s18], [sflag:$0x3] =	stream.linear.gather [hbm4b:s1+s2], $0x8000, $0x38;
	[tilespmem:$0x1B000] =	vst v63  }
0x35f: {  	_ = 	snop  }
0x360: {  	[tilespmem:s19], [sflag:$0x3] =	stream.linear.gather [hbm4b:s20+s2], $0x1000, $0x38;
	[tilespmem:$0x1B000] =	vst v63  }
0x361: {  	_ =	swait.ge [sflag:s25], $0x8000  }
0x362: {  	[sflag:s25] =	ssyncset.done $0x0  }
0x363: {  	[sflag:s25] =	ssyncadd.s32 $0xFFFF8000  }
0x364: {  	_ =	swait.ge [sflag:s25], $0x1000  }
0x365: {  	[sflag:s25] =	ssyncset.done $0x0  }
0x366: {  	s28 =	sld [smem:$0x7F3];
	[sflag:s25] =	ssyncadd.s32 $0xFFFFF000  }
0x367: {  	[hbm4b:s26+s11] =	stream.strided.scatter [tilespmem:s22], [sflag:$0x5], $0x8000, s12, s11, $0x38;
	[tilespmem:$0x1B000] =	vst v63  }
0x368: {  	_ = 	snop  }
0x369: {  	[hbm4b:s28+s13] =	stream.strided.scatter [tilespmem:s23], [sflag:$0x5], $0x1000, s12, s13, $0x38;
	[tilespmem:$0x1B000] =	vst v63  }
0x36a: {  	_ =	swait.ge [sflag:s3], $0x8000  }
0x36b: {  	[sflag:s3] =	ssyncset.done $0x0  }
0x36c: {  	[sflag:s3] =	ssyncadd.s32 $0xFFFF8000  }
0x36d: {  	_ =	swait.ge [sflag:s3], $0x1000  }
0x36e: {  	s29 =	sld [smem:$0x7F4]  }
0x36f: {  	[sflag:s3] =	ssyncset.done $0x0  }
0x370: {  	s30 =	sld [smem:$0x7F5];
	[sflag:s3] =	ssyncadd.s32 $0xFFFFF000  }
0x371: {  	[tilespmem:s2], [sflag:$0x1] =	stream.linear.gather [hbm4b:s29+s2], $0x8000, $0x38;
	[tilespmem:$0x1B000] =	vst v63  }
0x372: {  	_ = 	snop  }
0x373: {  	[tilespmem:s6], [sflag:$0x1] =	stream.linear.gather [hbm4b:s30+s2], $0x1000, $0x38;
	[tilespmem:$0x1B000] =	vst v63  }
0x374: {  	_ =	swait.ge [sflag:s21], $0x8000  }
0x375: {  	[sflag:s21] =	ssyncset.done $0x0  }
0x376: {  	[sflag:s21] =	ssyncadd.s32 $0xFFFF8000  }
0x377: {  	_ =	swait.ge [sflag:s21], $0x1000  }
0x378: {  	[sflag:s21] =	ssyncset.done $0x0  }
0x379: {  	s31 =	sld [smem:$0x7F6];
	[sflag:s21] =	ssyncadd.s32 $0xFFFFF000  }
0x37a: {  	[hbm4b:s24+s11] =	stream.strided.scatter [tilespmem:s18], [sflag:$0x6], $0x8000, s12, s11, $0x38;
	[tilespmem:$0x1B000] =	vst v63  }
0x37b: {  	_ = 	snop  }
0x37c: {  	[hbm4b:s31+s13] =	stream.strided.scatter [tilespmem:s19], [sflag:$0x6], $0x1000, s12, s13, $0x38;
	[tilespmem:$0x1B000] =	vst v63  }
0x37d: {  	_ =	swait.ge [sflag:s15], $0x8000  }
0x37e: {  	[sflag:s15] =	ssyncset.done $0x0  }
0x37f: {  	[sflag:s15] =	ssyncadd.s32 $0xFFFF8000  }
0x380: {  	_ =	swait.ge [sflag:s15], $0x1000  }
0x381: {  	s1 =	sld [smem:$0x7F7]  }
0x382: {  	[sflag:s15] =	ssyncset.done $0x0  }
0x383: {  	s20 =	sld [smem:$0x7F8];
	[sflag:s15] =	ssyncadd.s32 $0xFFFFF000  }
0x384: {  	[tilespmem:s22], [sflag:$0x2] =	stream.linear.gather [hbm4b:s1+s2], $0x8000, $0x38;
	[tilespmem:$0x1B000] =	vst v63  }
0x385: {  	_ = 	snop  }
0x386: {  	[tilespmem:s23], [sflag:$0x2] =	stream.linear.gather [hbm4b:s20+s2], $0x1000, $0x38;
	[tilespmem:$0x1B000] =	vst v63  }
0x387: {  	_ =	swait.ge [sflag:s10], $0x8000  }
0x388: {  	[sflag:s10] =	ssyncset.done $0x0  }
0x389: {  	[sflag:s10] =	ssyncadd.s32 $0xFFFF8000  }
0x38a: {  	_ =	swait.ge [sflag:s10], $0x1000  }
0x38b: {  	s24 =	sld [smem:$0x7F9]  }
0x38c: {  	[sflag:s10] =	ssyncset.done $0x0  }
0x38d: {  	s26 =	sld [smem:$0x7FA];
	[sflag:s10] =	ssyncadd.s32 $0xFFFFF000  }
0x38e: {  	[hbm4b:s24+s11] =	stream.strided.scatter [tilespmem:s2], [sflag:$0x4], $0x8000, s12, s11, $0x38;
	[tilespmem:$0x1B000] =	vst v63  }
0x38f: {  	_ = 	snop  }
0x390: {  	[hbm4b:s26+s13] =	stream.strided.scatter [tilespmem:s6], [sflag:$0x4], $0x1000, s12, s13, $0x38;
	[tilespmem:$0x1B000] =	vst v63  }
0x391: {  	_ =	swait.ge [sflag:s8], $0x8000  }
0x392: {  	[sflag:s8] =	ssyncset.done $0x0  }
0x393: {  	[sflag:s8] =	ssyncadd.s32 $0xFFFF8000  }
0x394: {  	_ =	swait.ge [sflag:s8], $0x1000  }
0x395: {  	s28 =	sld [smem:$0x7FB]  }
0x396: {  	[sflag:s8] =	ssyncset.done $0x0  }
0x397: {  	s29 =	sld [smem:$0x7FC];
	[sflag:s8] =	ssyncadd.s32 $0xFFFFF000  }
0x398: {  	[tilespmem:s18], [sflag:$0x3] =	stream.linear.gather [hbm4b:s28+s2], $0x8000, $0x38;
	[tilespmem:$0x1B000] =	vst v63  }
0x399: {  	_ = 	snop  }
0x39a: {  	[tilespmem:s19], [sflag:$0x3] =	stream.linear.gather [hbm4b:s29+s2], $0x1000, $0x38;
	[tilespmem:$0x1B000] =	vst v63  }
0x39b: {  	_ =	swait.ge [sflag:s25], $0x8000  }
0x39c: {  	[sflag:s25] =	ssyncset.done $0x0  }
0x39d: {  	[sflag:s25] =	ssyncadd.s32 $0xFFFF8000  }
0x39e: {  	_ =	swait.ge [sflag:s25], $0x1000  }
0x39f: {  	s30 =	sld [smem:$0x7FD]  }
0x3a0: {  	[sflag:s25] =	ssyncset.done $0x0  }
0x3a1: {  	[sflag:s25] =	ssyncadd.s32 $0xFFFFF000  }
0x3a2: {  	[hbm4b:s30+s11] =	stream.strided.scatter [tilespmem:s22], [sflag:$0x5], $0x8000, s12, s11, $0x38;
	[tilespmem:$0x1B000] =	vst v63  }
0x3a3: {  	_ = 	snop  }
0x3a4: {  	[hbm4b:s17+s13] =	stream.strided.scatter [tilespmem:s23], [sflag:$0x5], $0x1000, s12, s13, $0x38;
	[tilespmem:$0x1B000] =	vst v63  }
0x3a5: {  	_ =	swait.ge [sflag:s3], $0x8000  }
0x3a6: {  	[sflag:s3] =	ssyncset.done $0x0  }
0x3a7: {  	[sflag:s3] =	ssyncadd.s32 $0xFFFF8000  }
0x3a8: {  	_ =	swait.ge [sflag:s3], $0x1000  }
0x3a9: {  	[sflag:s3] =	ssyncset.done $0x0  }
0x3aa: {  	[sflag:s3] =	ssyncadd.s32 $0xFFFFF000  }
0x3ab: {  	[tilespmem:s2], [sflag:$0x1] =	stream.linear.gather [hbm4b:s14+s2], $0x8000, $0x38;
	[tilespmem:$0x1B000] =	vst v63  }
0x3ac: {  	_ = 	snop  }
0x3ad: {  	[tilespmem:s6], [sflag:$0x1] =	stream.linear.gather [hbm4b:s16+s2], $0x1000, $0x38;
	[tilespmem:$0x1B000] =	vst v63  }
0x3ae: {  	_ =	swait.ge [sflag:s21], $0x8000  }
0x3af: {  	[sflag:s21] =	ssyncset.done $0x0  }
0x3b0: {  	[sflag:s21] =	ssyncadd.s32 $0xFFFF8000  }
0x3b1: {  	_ =	swait.ge [sflag:s21], $0x1000  }
0x3b2: {  	[sflag:s21] =	ssyncset.done $0x0  }
0x3b3: {  	[sflag:s21] =	ssyncadd.s32 $0xFFFFF000  }
0x3b4: {  	[hbm4b:s7+s11] =	stream.strided.scatter [tilespmem:s18], [sflag:$0x6], $0x8000, s12, s11, $0x38;
	[tilespmem:$0x1B000] =	vst v63  }
0x3b5: {  	_ = 	snop  }
0x3b6: {  	[hbm4b:s9+s13] =	stream.strided.scatter [tilespmem:s19], [sflag:$0x6], $0x1000, s12, s13, $0x38;
	[tilespmem:$0x1B000] =	vst v63  }
0x3b7: {  	_ =	swait.ge [sflag:s10], $0x8000  }
0x3b8: {  	[sflag:s10] =	ssyncset.done $0x0  }
0x3b9: {  	[sflag:s10] =	ssyncadd.s32 $0xFFFF8000  }
0x3ba: {  	_ =	swait.ge [sflag:s10], $0x1000  }
0x3bb: {  	[sflag:s10] =	ssyncset.done $0x0  }
0x3bc: {  	[sflag:s10] =	ssyncadd.s32 $0xFFFFF000  }
0x3bd: {  	[hbm4b:s4+s11] =	stream.strided.scatter [tilespmem:s2], [sflag:$0x4], $0x8000, s12, s11, $0x38;
	[tilespmem:$0x1B000] =	vst v63  }
0x3be: {  	_ = 	snop  }
0x3bf: {  	[hbm4b:s5+s13] =	stream.strided.scatter [tilespmem:s6], [sflag:$0x4], $0x1000, s12, s13, $0x38;
	[tilespmem:$0x1B000] =	vst v63  }
0x3c0: {  	_ =	swait.ge [sflag:s15], $0x8000  }
0x3c1: {  	[sflag:s15] =	ssyncset.done $0x0  }
0x3c2: {  	[sflag:s15] =	ssyncadd.s32 $0xFFFF8000  }
0x3c3: {  	_ =	swait.ge [sflag:s15], $0x1000  }
0x3c4: {  	[sflag:s15] =	ssyncset.done $0x0  }
0x3c5: {  	[sflag:s15] =	ssyncadd.s32 $0xFFFFF000  }
0x3c6: {  	_ =	swait.ge [sflag:s8], $0x8000  }
0x3c7: {  	[sflag:s8] =	ssyncset.done $0x0  }
0x3c8: {  	[sflag:s8] =	ssyncadd.s32 $0xFFFF8000  }
0x3c9: {  	_ =	swait.ge [sflag:s8], $0x1000  }
0x3ca: {  	[sflag:s8] =	ssyncset.done $0x0  }
0x3cb: {  	[sflag:s8] =	ssyncadd.s32 $0xFFFFF000  }
0x3cc: {  	_ =	swait.ge [sflag:s3], $0x8000  }
0x3cd: {  	[sflag:s3] =	ssyncset.done $0x0  }
0x3ce: {  	[sflag:s3] =	ssyncadd.s32 $0xFFFF8000  }
0x3cf: {  	_ =	swait.ge [sflag:s3], $0x1000  }
0x3d0: {  	[sflag:s3] =	ssyncset.done $0x0  }
0x3d1: {  	[sflag:s3] =	ssyncadd.s32 $0xFFFFF000  }
0x3d2: {  	_ =	sfence.sel $0x180000  }
0x3d3: {  	[bflag:$0x0] =	sbarrier.arrive $0xFFFF  }
0x3d4: {  	_ =	strace $0x90000047  }
0x3d5: {  	s31 =	stileid.u32;
	[bflag:$0x2] =	sbarrier.arrive $0xFFFF  }
0x3d6: {  	p0 =	sne.s32 s31, $0x0;
	s0 =	rddreg [dreg:$0x3]  }
0x3d7: {  	s0 =	sadd.s32 @!p0 $0x100000, s0  }
0x3d8: {  	[sflag:s0] =	ssyncadd.tile.s32 @!p0 $0x1;
	_ =	shalt  }
.LBB2_2:
.Ltmp3:
0x3d9: {  	(pc) =	sbr.rel .LBB2_5-.Ltmp3, $2  }
0x3da: {  	_ =	sdelay $0x2  }
0x3db: {  	s29 =	sld [smem:$0x7E7]  }
.Lfunc_end2:
_tile_overlayer_lowered:
.L_overlay_start_2:
0x3dc: {  	(tag) =	ssettag $0x2  }
0x3dd: {  	s0 =	rddreg [dreg:$0x0];
	s2 =	stileid.u32  }
0x3de: {  	s1 =	rddreg [dreg:$0x1];
	p0 =	sne.s32 s2, $0x0  }
0x3df: {  	s3 =	rddreg [dreg:$0x2];
	[bflag:$0x3] =	sbarrier.arrive $0xFFFF;
	s2 =	simm.s32 @!p0 $0x1C07  }
0x3e0: {  	[timem:s3], [sflag:s2] =	dma.local @!p0 [hbm:s0], s1  }
0x3e1: {  	s0 =	simm.s32 @!p0 $0x7  }
0x3e2: {  	_ =	swait.ge @!p0 [sflag:s0], s1  }
0x3e3: {  	s1 =	ssub.s32 @!p0 $0x0, s1;
	[sflag:s0] =	ssyncset.done @!p0 $0x0  }
0x3e4: {  	[sflag:s0] =	ssyncadd.s32 @!p0 s1  }
0x3e5: {  	[bflag:$0x3] =	sbarrier.arrive $0xFFFF  }
0x3e6: {  	_ =	shalt  }

</sc_bundles>
